<compile_context>
chip_gen: v7x
topology: tpu7x:2x2x1
jax: 0.10.2.dev20260603
libtpu: 0.0.44.dev20260713+nightly
codegen_flags: <defaults>
</compile_context>

<pallas_src>
import functools

import jax
import jax.numpy as jnp
from jax import lax
from jax.experimental import pallas as pl
from jax.experimental.pallas import tpu as pltpu
from jax.experimental.pallas import tpu_sc as plsc

B = 16384
PEP_LEN = 50
MHC_LEN = 34
EMB = 128
PEPTIDE_PAD = 3
MASK_LEN = PEP_LEN - 2 * PEPTIDE_PAD

_info = plsc.get_sparse_core_info()
_NC = _info.num_cores
_NS = _info.num_subcores
_NW = _NC * _NS

_RW = B // _NW
_NBUF = 8
_NGRP = _RW // _NBUF

_mesh = plsc.VectorSubcoreMesh(core_axis_name="c", subcore_axis_name="s")


def _make_gather(seq_len):
    @functools.partial(
        pl.kernel,
        mesh=_mesh,
        out_type=jax.ShapeDtypeStruct((B, seq_len, EMB), jnp.float32),
        scratch_types=[
            pltpu.VMEM((_RW, seq_len), jnp.int32),
            pltpu.VMEM((_NBUF, seq_len, EMB), jnp.float32),
        ] + [pltpu.SemaphoreType.DMA] * (2 * _NBUF),
    )
    def gather(table, x, out, idx_v, rows_v, *sems):
        gsem = sems[:_NBUF]
        wsem = sems[_NBUF:]
        wid = lax.axis_index("s") * _NC + lax.axis_index("c")
        r0 = wid * _RW

        pltpu.sync_copy(x.at[pl.ds(r0, _RW)], idx_v)

        def gd(k, b):
            return pltpu.make_async_copy(
                table.at[idx_v.at[k]], rows_v.at[b], gsem[b])

        def wd(k, b):
            return pltpu.make_async_copy(
                rows_v.at[b], out.at[r0 + k], wsem[b])

        for b in range(_NBUF):
            gd(b, b).start()

        def body(g, carry):
            for b in range(_NBUF):
                k = g * _NBUF + b
                gd(k, b).wait()
                wd(k, b).start()
            for b in range(_NBUF):
                k = g * _NBUF + b
                wd(k, b).wait()

                @pl.when(g + 1 < _NGRP)
                def _():
                    gd(k + _NBUF, b).start()
            return carry

        lax.fori_loop(0, _NGRP, body, 0)

    return gather


_gather_pep = _make_gather(PEP_LEN)


VOCAB = 1000
_MHC_RB = 256
_MHC_GB = B // _MHC_RB


def _mhc_tc_body(x_ref, w_ref, o_ref):
    wb = w_ref[...].astype(jnp.bfloat16)
    iota = lax.broadcasted_iota(jnp.int32, (_MHC_RB, VOCAB), 1)
    for s in range(MHC_LEN):
        idx = x_ref[:, s:s + 1]
        oh = (idx == iota).astype(jnp.bfloat16)
        acc = jnp.dot(oh, wb, preferred_element_type=jnp.float32)
        o_ref[:, s:s + 1, :] = acc[:, None, :]


_mhc_tc_call = pl.pallas_call(
    _mhc_tc_body,
    grid=(_MHC_GB,),
    in_specs=[
        pl.BlockSpec((_MHC_RB, MHC_LEN), lambda i: (i, 0)),
        pl.BlockSpec((VOCAB, EMB), lambda i: (0, 0)),
    ],
    out_specs=pl.BlockSpec((_MHC_RB, MHC_LEN, EMB), lambda i: (i, 0, 0)),
    out_shape=jax.ShapeDtypeStruct((B, MHC_LEN, EMB), jnp.float32),
)


_MASK_RB = 1024


def _mask_body(x_ref, o_ref):
    o_ref[...] = (x_ref[...] != 0).astype(jnp.int32)


_mask_call = pl.pallas_call(
    _mask_body,
    grid=(B // _MASK_RB,),
    in_specs=[pl.BlockSpec((_MASK_RB, MASK_LEN), lambda i: (i, 0))],
    out_specs=pl.BlockSpec((_MASK_RB, MASK_LEN), lambda i: (i, 0)),
    out_shape=jax.ShapeDtypeStruct((B, MASK_LEN), jnp.int32),
)


def kernel(peptide_x, mhc_x, peptide_emb_w, mhc_emb_w):
    pep_x = peptide_x.astype(jnp.int32)
    mhc_x = mhc_x.astype(jnp.int32)
    pep_emb = _gather_pep(peptide_emb_w, pep_x)
    mhc_emb = _mhc_tc_call(mhc_x, mhc_emb_w)
    mask_in = pep_x[:, PEPTIDE_PAD:PEP_LEN - PEPTIDE_PAD]
    masks = _mask_call(mask_in).astype(bool)
    return (pep_emb, mhc_emb, masks)

# --- scband reference (transcript-rebuilt; emitter-appended) ---
"""Pipeline reference for scband-embedding-layer-1812476199349 (READ-ONLY COPY).

The authoritative reference and input builder live on the scoring server;
editing this copy changes nothing except your own understanding.
"""

import jax, jax.numpy as jnp
import numpy as np

B = 16384
PEP_LEN = 50
MHC_LEN = 34
VOCAB = 1000
EMB = 128
PEPTIDE_PAD = 3
PADDING_IDX = 0


def setup_inputs(seed: int = 0) -> dict:
    key = jax.random.key(seed)
    k1, k2, k3, k4 = jax.random.split(key, 4)
    peptide_x = jax.random.randint(k1, (B, PEP_LEN), 0, VOCAB)
    mhc_x = jax.random.randint(k2, (B, MHC_LEN), 0, VOCAB)
    peptide_emb_w = jax.random.uniform(k3, (VOCAB, EMB), minval=-0.1, maxval=0.1, dtype=jnp.float32)
    mhc_emb_w = jax.random.uniform(k4, (VOCAB, EMB), minval=-0.1, maxval=0.1, dtype=jnp.float32)
    return {
        'peptide_x': peptide_x,
        'mhc_x': mhc_x,
        'peptide_emb_w': peptide_emb_w,
        'mhc_emb_w': mhc_emb_w,
    }


def reference(peptide_x, mhc_x, peptide_emb_w, mhc_emb_w):
    # masks = peptide_x[:, peptide_pad : L - peptide_pad] != padding_idx
    L = peptide_x.shape[1]
    masks = peptide_x[:, PEPTIDE_PAD:L - PEPTIDE_PAD] != PADDING_IDX
    pep_emb = jnp.take(peptide_emb_w, peptide_x, axis=0)
    mhc_emb = jnp.take(mhc_emb_w, mhc_x, axis=0)
    return (pep_emb, mhc_emb, masks)

if __name__ == "__main__":
    import jax
    _d = setup_inputs()
    print(jax.jit(kernel)(*tuple(_d.values())))

</pallas_src>

<mosaic_0001>
#map = affine_map<(d0, d1) -> (0, 0)>
#map1 = affine_map<(d0, d1) -> (0, 0, 0)>
module attributes {stable_mosaic.version = 14 : i64} {
  func.func @gather(%arg0: i32, %arg1: i32, %arg2: memref<1000x128xf32, #tpu.memory_space<hbm>>, %arg3: memref<16384x50xi32, #tpu.memory_space<hbm>>, %arg4: memref<16384x50x128xf32, #tpu.memory_space<hbm>>, %arg5: memref<512x50xi32, #tpu.memory_space<vmem>>, %arg6: memref<8x50x128xf32, #tpu.memory_space<vmem>>, %arg7: memref<!tpu.dma_semaphore, #tpu.memory_space<semaphore_mem>>, %arg8: memref<!tpu.dma_semaphore, #tpu.memory_space<semaphore_mem>>, %arg9: memref<!tpu.dma_semaphore, #tpu.memory_space<semaphore_mem>>, %arg10: memref<!tpu.dma_semaphore, #tpu.memory_space<semaphore_mem>>, %arg11: memref<!tpu.dma_semaphore, #tpu.memory_space<semaphore_mem>>, %arg12: memref<!tpu.dma_semaphore, #tpu.memory_space<semaphore_mem>>, %arg13: memref<!tpu.dma_semaphore, #tpu.memory_space<semaphore_mem>>, %arg14: memref<!tpu.dma_semaphore, #tpu.memory_space<semaphore_mem>>, %arg15: memref<!tpu.dma_semaphore, #tpu.memory_space<semaphore_mem>>, %arg16: memref<!tpu.dma_semaphore, #tpu.memory_space<semaphore_mem>>, %arg17: memref<!tpu.dma_semaphore, #tpu.memory_space<semaphore_mem>>, %arg18: memref<!tpu.dma_semaphore, #tpu.memory_space<semaphore_mem>>, %arg19: memref<!tpu.dma_semaphore, #tpu.memory_space<semaphore_mem>>, %arg20: memref<!tpu.dma_semaphore, #tpu.memory_space<semaphore_mem>>, %arg21: memref<!tpu.dma_semaphore, #tpu.memory_space<semaphore_mem>>, %arg22: memref<!tpu.dma_semaphore, #tpu.memory_space<semaphore_mem>>) attributes {dimension_semantics = [#tpu.dimension_semantics<core_parallel>, #tpu.dimension_semantics<subcore_parallel>], iteration_bounds = array<i64: 2, 16>, scalar_prefetch = 0 : i64, scratch_operands = 18 : i64, tpu.core_type = #tpu.core_type<sc_vector_subcore>, window_params = [{transform_indices = #map}, {transform_indices = #map}, {transform_indices = #map1}]} {
    %mul3A = arith.constant 2 : i32
    %mul3A_0 = arith.muli %arg1, %mul3A : i32
    %add3A = arith.addi %mul3A_0, %arg0 : i32
    %mul3A_1 = arith.constant 512 : i32
    %mul3A_2 = arith.muli %add3A, %mul3A_1 : i32
    "tpu.region"() ({
      %run_scoped3A = tpu.sem_alloc : memref<!tpu.dma_semaphore, #tpu.memory_space<semaphore_mem>>
      %dma_start3A_103 = arith.constant 0 : i32
      %dma_start3A_104 = tpu.memref_slice %arg3[%mul3A_2, %dma_start3A_103] : memref<16384x50xi32, #tpu.memory_space<hbm>> -> memref<512x50xi32, #tpu.memory_space<hbm>>
      %dma_start3A_105 = arith.constant 0 : i32
      %dma_start3A_106 = tpu.memref_slice %arg3[%mul3A_2, %dma_start3A_105] : memref<16384x50xi32, #tpu.memory_space<hbm>> -> memref<512x50xi32, #tpu.memory_space<hbm>>
      tpu.enqueue_dma source(%dma_start3A_106 : memref<512x50xi32, #tpu.memory_space<hbm>>) target(%arg5 : memref<512x50xi32, #tpu.memory_space<vmem>>) target_semaphore(%run_scoped3A : memref<!tpu.dma_semaphore, #tpu.memory_space<semaphore_mem>>)
      %dma_wait3A = arith.constant 0 : i32
      %dma_wait3A_107 = tpu.memref_slice %arg3[%mul3A_2, %dma_wait3A] : memref<16384x50xi32, #tpu.memory_space<hbm>> -> memref<512x50xi32, #tpu.memory_space<hbm>>
      %dma_wait3A_108 = arith.constant 0 : i32
      %dma_wait3A_109 = tpu.memref_slice %arg3[%mul3A_2, %dma_wait3A_108] : memref<16384x50xi32, #tpu.memory_space<hbm>> -> memref<512x50xi32, #tpu.memory_space<hbm>>
      tpu.wait_dma2 semaphore(%run_scoped3A : memref<!tpu.dma_semaphore, #tpu.memory_space<semaphore_mem>>) src(%dma_wait3A_109 : memref<512x50xi32, #tpu.memory_space<hbm>>) dst(%arg5 : memref<512x50xi32, #tpu.memory_space<vmem>>)
      tpu.yield
    }) : () -> ()
    %dma_start3A = arith.constant 0 : i32
    %dma_start3A_3 = arith.constant 0 : i32
    %dma_start3A_4 = arith.constant 0 : i32
    %dma_start3A_5 = arith.constant 0 : i32
    %dma_start3A_6 = tpu.memref_slice %arg6[%dma_start3A_3, %dma_start3A_4, %dma_start3A_5] : memref<8x50x128xf32, #tpu.memory_space<vmem>> -> memref<1x50x128xf32, #tpu.memory_space<vmem>>
    %dma_start3A_7 = tpu.memref_squeeze %dma_start3A_6 : memref<1x50x128xf32, #tpu.memory_space<vmem>> -> memref<50x128xf32, #tpu.memory_space<vmem>>
    %dma_start3A_8 = arith.constant 0 : i32
    %dma_start3A_9 = tpu.memref_slice %arg5[%dma_start3A, %dma_start3A_8] : memref<512x50xi32, #tpu.memory_space<vmem>> -> memref<1x50xi32, #tpu.memory_space<vmem>>
    %dma_start3A_10 = tpu.memref_squeeze %dma_start3A_9 : memref<1x50xi32, #tpu.memory_space<vmem>> -> memref<50xi32, #tpu.memory_space<vmem>>
    %dma_start3A_11 = arith.constant 0 : i32
    %dma_start3A_12 = arith.constant 0 : i32
    %dma_start3A_13 = tpu.memref_slice %arg2[%dma_start3A_11, %dma_start3A_12] : memref<1000x128xf32, #tpu.memory_space<hbm>> -> memref<1000x128xf32, #tpu.memory_space<hbm>>
    tpu.enqueue_indirect_dma source(%dma_start3A_13 : memref<1000x128xf32, #tpu.memory_space<hbm>>) target(%dma_start3A_7 : memref<50x128xf32, #tpu.memory_space<vmem>>) offsets(%dma_start3A_10 : memref<50xi32, #tpu.memory_space<vmem>>) semaphore(%arg7 : memref<!tpu.dma_semaphore, #tpu.memory_space<semaphore_mem>>)
    %dma_start3A_14 = arith.constant 1 : i32
    %dma_start3A_15 = arith.constant 1 : i32
    %dma_start3A_16 = arith.constant 0 : i32
    %dma_start3A_17 = arith.constant 0 : i32
    %dma_start3A_18 = tpu.memref_slice %arg6[%dma_start3A_15, %dma_start3A_16, %dma_start3A_17] : memref<8x50x128xf32, #tpu.memory_space<vmem>> -> memref<1x50x128xf32, #tpu.memory_space<vmem>>
    %dma_start3A_19 = tpu.memref_squeeze %dma_start3A_18 : memref<1x50x128xf32, #tpu.memory_space<vmem>> -> memref<50x128xf32, #tpu.memory_space<vmem>>
    %dma_start3A_20 = arith.constant 0 : i32
    %dma_start3A_21 = tpu.memref_slice %arg5[%dma_start3A_14, %dma_start3A_20] : memref<512x50xi32, #tpu.memory_space<vmem>> -> memref<1x50xi32, #tpu.memory_space<vmem>>
    %dma_start3A_22 = tpu.memref_squeeze %dma_start3A_21 : memref<1x50xi32, #tpu.memory_space<vmem>> -> memref<50xi32, #tpu.memory_space<vmem>>
    %dma_start3A_23 = arith.constant 0 : i32
    %dma_start3A_24 = arith.constant 0 : i32
    %dma_start3A_25 = tpu.memref_slice %arg2[%dma_start3A_23, %dma_start3A_24] : memref<1000x128xf32, #tpu.memory_space<hbm>> -> memref<1000x128xf32, #tpu.memory_space<hbm>>
    tpu.enqueue_indirect_dma source(%dma_start3A_25 : memref<1000x128xf32, #tpu.memory_space<hbm>>) target(%dma_start3A_19 : memref<50x128xf32, #tpu.memory_space<vmem>>) offsets(%dma_start3A_22 : memref<50xi32, #tpu.memory_space<vmem>>) semaphore(%arg8 : memref<!tpu.dma_semaphore, #tpu.memory_space<semaphore_mem>>)
    %dma_start3A_26 = arith.constant 2 : i32
    %dma_start3A_27 = arith.constant 2 : i32
    %dma_start3A_28 = arith.constant 0 : i32
    %dma_start3A_29 = arith.constant 0 : i32
    %dma_start3A_30 = tpu.memref_slice %arg6[%dma_start3A_27, %dma_start3A_28, %dma_start3A_29] : memref<8x50x128xf32, #tpu.memory_space<vmem>> -> memref<1x50x128xf32, #tpu.memory_space<vmem>>
    %dma_start3A_31 = tpu.memref_squeeze %dma_start3A_30 : memref<1x50x128xf32, #tpu.memory_space<vmem>> -> memref<50x128xf32, #tpu.memory_space<vmem>>
    %dma_start3A_32 = arith.constant 0 : i32
    %dma_start3A_33 = tpu.memref_slice %arg5[%dma_start3A_26, %dma_start3A_32] : memref<512x50xi32, #tpu.memory_space<vmem>> -> memref<1x50xi32, #tpu.memory_space<vmem>>
    %dma_start3A_34 = tpu.memref_squeeze %dma_start3A_33 : memref<1x50xi32, #tpu.memory_space<vmem>> -> memref<50xi32, #tpu.memory_space<vmem>>
    %dma_start3A_35 = arith.constant 0 : i32
    %dma_start3A_36 = arith.constant 0 : i32
    %dma_start3A_37 = tpu.memref_slice %arg2[%dma_start3A_35, %dma_start3A_36] : memref<1000x128xf32, #tpu.memory_space<hbm>> -> memref<1000x128xf32, #tpu.memory_space<hbm>>
    tpu.enqueue_indirect_dma source(%dma_start3A_37 : memref<1000x128xf32, #tpu.memory_space<hbm>>) target(%dma_start3A_31 : memref<50x128xf32, #tpu.memory_space<vmem>>) offsets(%dma_start3A_34 : memref<50xi32, #tpu.memory_space<vmem>>) semaphore(%arg9 : memref<!tpu.dma_semaphore, #tpu.memory_space<semaphore_mem>>)
    %dma_start3A_38 = arith.constant 3 : i32
    %dma_start3A_39 = arith.constant 3 : i32
    %dma_start3A_40 = arith.constant 0 : i32
    %dma_start3A_41 = arith.constant 0 : i32
    %dma_start3A_42 = tpu.memref_slice %arg6[%dma_start3A_39, %dma_start3A_40, %dma_start3A_41] : memref<8x50x128xf32, #tpu.memory_space<vmem>> -> memref<1x50x128xf32, #tpu.memory_space<vmem>>
    %dma_start3A_43 = tpu.memref_squeeze %dma_start3A_42 : memref<1x50x128xf32, #tpu.memory_space<vmem>> -> memref<50x128xf32, #tpu.memory_space<vmem>>
    %dma_start3A_44 = arith.constant 0 : i32
    %dma_start3A_45 = tpu.memref_slice %arg5[%dma_start3A_38, %dma_start3A_44] : memref<512x50xi32, #tpu.memory_space<vmem>> -> memref<1x50xi32, #tpu.memory_space<vmem>>
    %dma_start3A_46 = tpu.memref_squeeze %dma_start3A_45 : memref<1x50xi32, #tpu.memory_space<vmem>> -> memref<50xi32, #tpu.memory_space<vmem>>
    %dma_start3A_47 = arith.constant 0 : i32
    %dma_start3A_48 = arith.constant 0 : i32
    %dma_start3A_49 = tpu.memref_slice %arg2[%dma_start3A_47, %dma_start3A_48] : memref<1000x128xf32, #tpu.memory_space<hbm>> -> memref<1000x128xf32, #tpu.memory_space<hbm>>
    tpu.enqueue_indirect_dma source(%dma_start3A_49 : memref<1000x128xf32, #tpu.memory_space<hbm>>) target(%dma_start3A_43 : memref<50x128xf32, #tpu.memory_space<vmem>>) offsets(%dma_start3A_46 : memref<50xi32, #tpu.memory_space<vmem>>) semaphore(%arg10 : memref<!tpu.dma_semaphore, #tpu.memory_space<semaphore_mem>>)
    %dma_start3A_50 = arith.constant 4 : i32
    %dma_start3A_51 = arith.constant 4 : i32
    %dma_start3A_52 = arith.constant 0 : i32
    %dma_start3A_53 = arith.constant 0 : i32
    %dma_start3A_54 = tpu.memref_slice %arg6[%dma_start3A_51, %dma_start3A_52, %dma_start3A_53] : memref<8x50x128xf32, #tpu.memory_space<vmem>> -> memref<1x50x128xf32, #tpu.memory_space<vmem>>
    %dma_start3A_55 = tpu.memref_squeeze %dma_start3A_54 : memref<1x50x128xf32, #tpu.memory_space<vmem>> -> memref<50x128xf32, #tpu.memory_space<vmem>>
    %dma_start3A_56 = arith.constant 0 : i32
    %dma_start3A_57 = tpu.memref_slice %arg5[%dma_start3A_50, %dma_start3A_56] : memref<512x50xi32, #tpu.memory_space<vmem>> -> memref<1x50xi32, #tpu.memory_space<vmem>>
    %dma_start3A_58 = tpu.memref_squeeze %dma_start3A_57 : memref<1x50xi32, #tpu.memory_space<vmem>> -> memref<50xi32, #tpu.memory_space<vmem>>
    %dma_start3A_59 = arith.constant 0 : i32
    %dma_start3A_60 = arith.constant 0 : i32
    %dma_start3A_61 = tpu.memref_slice %arg2[%dma_start3A_59, %dma_start3A_60] : memref<1000x128xf32, #tpu.memory_space<hbm>> -> memref<1000x128xf32, #tpu.memory_space<hbm>>
    tpu.enqueue_indirect_dma source(%dma_start3A_61 : memref<1000x128xf32, #tpu.memory_space<hbm>>) target(%dma_start3A_55 : memref<50x128xf32, #tpu.memory_space<vmem>>) offsets(%dma_start3A_58 : memref<50xi32, #tpu.memory_space<vmem>>) semaphore(%arg11 : memref<!tpu.dma_semaphore, #tpu.memory_space<semaphore_mem>>)
    %dma_start3A_62 = arith.constant 5 : i32
    %dma_start3A_63 = arith.constant 5 : i32
    %dma_start3A_64 = arith.constant 0 : i32
    %dma_start3A_65 = arith.constant 0 : i32
    %dma_start3A_66 = tpu.memref_slice %arg6[%dma_start3A_63, %dma_start3A_64, %dma_start3A_65] : memref<8x50x128xf32, #tpu.memory_space<vmem>> -> memref<1x50x128xf32, #tpu.memory_space<vmem>>
    %dma_start3A_67 = tpu.memref_squeeze %dma_start3A_66 : memref<1x50x128xf32, #tpu.memory_space<vmem>> -> memref<50x128xf32, #tpu.memory_space<vmem>>
    %dma_start3A_68 = arith.constant 0 : i32
    %dma_start3A_69 = tpu.memref_slice %arg5[%dma_start3A_62, %dma_start3A_68] : memref<512x50xi32, #tpu.memory_space<vmem>> -> memref<1x50xi32, #tpu.memory_space<vmem>>
    %dma_start3A_70 = tpu.memref_squeeze %dma_start3A_69 : memref<1x50xi32, #tpu.memory_space<vmem>> -> memref<50xi32, #tpu.memory_space<vmem>>
    %dma_start3A_71 = arith.constant 0 : i32
    %dma_start3A_72 = arith.constant 0 : i32
    %dma_start3A_73 = tpu.memref_slice %arg2[%dma_start3A_71, %dma_start3A_72] : memref<1000x128xf32, #tpu.memory_space<hbm>> -> memref<1000x128xf32, #tpu.memory_space<hbm>>
    tpu.enqueue_indirect_dma source(%dma_start3A_73 : memref<1000x128xf32, #tpu.memory_space<hbm>>) target(%dma_start3A_67 : memref<50x128xf32, #tpu.memory_space<vmem>>) offsets(%dma_start3A_70 : memref<50xi32, #tpu.memory_space<vmem>>) semaphore(%arg12 : memref<!tpu.dma_semaphore, #tpu.memory_space<semaphore_mem>>)
    %dma_start3A_74 = arith.constant 6 : i32
    %dma_start3A_75 = arith.constant 6 : i32
    %dma_start3A_76 = arith.constant 0 : i32
    %dma_start3A_77 = arith.constant 0 : i32
    %dma_start3A_78 = tpu.memref_slice %arg6[%dma_start3A_75, %dma_start3A_76, %dma_start3A_77] : memref<8x50x128xf32, #tpu.memory_space<vmem>> -> memref<1x50x128xf32, #tpu.memory_space<vmem>>
    %dma_start3A_79 = tpu.memref_squeeze %dma_start3A_78 : memref<1x50x128xf32, #tpu.memory_space<vmem>> -> memref<50x128xf32, #tpu.memory_space<vmem>>
    %dma_start3A_80 = arith.constant 0 : i32
    %dma_start3A_81 = tpu.memref_slice %arg5[%dma_start3A_74, %dma_start3A_80] : memref<512x50xi32, #tpu.memory_space<vmem>> -> memref<1x50xi32, #tpu.memory_space<vmem>>
    %dma_start3A_82 = tpu.memref_squeeze %dma_start3A_81 : memref<1x50xi32, #tpu.memory_space<vmem>> -> memref<50xi32, #tpu.memory_space<vmem>>
    %dma_start3A_83 = arith.constant 0 : i32
    %dma_start3A_84 = arith.constant 0 : i32
    %dma_start3A_85 = tpu.memref_slice %arg2[%dma_start3A_83, %dma_start3A_84] : memref<1000x128xf32, #tpu.memory_space<hbm>> -> memref<1000x128xf32, #tpu.memory_space<hbm>>
    tpu.enqueue_indirect_dma source(%dma_start3A_85 : memref<1000x128xf32, #tpu.memory_space<hbm>>) target(%dma_start3A_79 : memref<50x128xf32, #tpu.memory_space<vmem>>) offsets(%dma_start3A_82 : memref<50xi32, #tpu.memory_space<vmem>>) semaphore(%arg13 : memref<!tpu.dma_semaphore, #tpu.memory_space<semaphore_mem>>)
    %dma_start3A_86 = arith.constant 7 : i32
    %dma_start3A_87 = arith.constant 7 : i32
    %dma_start3A_88 = arith.constant 0 : i32
    %dma_start3A_89 = arith.constant 0 : i32
    %dma_start3A_90 = tpu.memref_slice %arg6[%dma_start3A_87, %dma_start3A_88, %dma_start3A_89] : memref<8x50x128xf32, #tpu.memory_space<vmem>> -> memref<1x50x128xf32, #tpu.memory_space<vmem>>
    %dma_start3A_91 = tpu.memref_squeeze %dma_start3A_90 : memref<1x50x128xf32, #tpu.memory_space<vmem>> -> memref<50x128xf32, #tpu.memory_space<vmem>>
    %dma_start3A_92 = arith.constant 0 : i32
    %dma_start3A_93 = tpu.memref_slice %arg5[%dma_start3A_86, %dma_start3A_92] : memref<512x50xi32, #tpu.memory_space<vmem>> -> memref<1x50xi32, #tpu.memory_space<vmem>>
    %dma_start3A_94 = tpu.memref_squeeze %dma_start3A_93 : memref<1x50xi32, #tpu.memory_space<vmem>> -> memref<50xi32, #tpu.memory_space<vmem>>
    %dma_start3A_95 = arith.constant 0 : i32
    %dma_start3A_96 = arith.constant 0 : i32
    %dma_start3A_97 = tpu.memref_slice %arg2[%dma_start3A_95, %dma_start3A_96] : memref<1000x128xf32, #tpu.memory_space<hbm>> -> memref<1000x128xf32, #tpu.memory_space<hbm>>
    tpu.enqueue_indirect_dma source(%dma_start3A_97 : memref<1000x128xf32, #tpu.memory_space<hbm>>) target(%dma_start3A_91 : memref<50x128xf32, #tpu.memory_space<vmem>>) offsets(%dma_start3A_94 : memref<50xi32, #tpu.memory_space<vmem>>) semaphore(%arg14 : memref<!tpu.dma_semaphore, #tpu.memory_space<semaphore_mem>>)
    %scan3A = arith.constant 0 : i32
    %scan3A_98 = arith.constant 0 : i32
    %scan3A_99 = arith.constant 64 : i32
    %scan3A_100 = arith.addi %scan3A_98, %scan3A_99 : i32
    %scan3A_101 = arith.constant 1 : i32
    scf.for %scan3A_103 = %scan3A_98 to %scan3A_100 step %scan3A_101  : i32 {
      %mul3A_104 = arith.constant 8 : i32
      %mul3A_105 = arith.muli %scan3A_103, %mul3A_104 : i32
      %add3A_106 = arith.constant 0 : i32
      %add3A_107 = arith.addi %mul3A_105, %add3A_106 : i32
      %dma_wait3A = arith.constant 0 : i32
      %dma_wait3A_108 = arith.constant 0 : i32
      %dma_wait3A_109 = arith.constant 0 : i32
      %dma_wait3A_110 = tpu.memref_slice %arg6[%dma_wait3A, %dma_wait3A_108, %dma_wait3A_109] : memref<8x50x128xf32, #tpu.memory_space<vmem>> -> memref<1x50x128xf32, #tpu.memory_space<vmem>>
      %dma_wait3A_111 = tpu.memref_squeeze %dma_wait3A_110 : memref<1x50x128xf32, #tpu.memory_space<vmem>> -> memref<50x128xf32, #tpu.memory_space<vmem>>
      %dma_wait3A_112 = arith.constant 0 : i32
      %dma_wait3A_113 = tpu.memref_slice %arg5[%add3A_107, %dma_wait3A_112] : memref<512x50xi32, #tpu.memory_space<vmem>> -> memref<1x50xi32, #tpu.memory_space<vmem>>
      %dma_wait3A_114 = tpu.memref_squeeze %dma_wait3A_113 : memref<1x50xi32, #tpu.memory_space<vmem>> -> memref<50xi32, #tpu.memory_space<vmem>>
      %dma_wait3A_115 = arith.constant 0 : i32
      %dma_wait3A_116 = arith.constant 0 : i32
      %dma_wait3A_117 = tpu.memref_slice %arg2[%dma_wait3A_115, %dma_wait3A_116] : memref<1000x128xf32, #tpu.memory_space<hbm>> -> memref<1000x128xf32, #tpu.memory_space<hbm>>
      tpu.wait_indirect_dma semaphore(%arg7 : memref<!tpu.dma_semaphore, #tpu.memory_space<semaphore_mem>>) src(%dma_wait3A_117 : memref<1000x128xf32, #tpu.memory_space<hbm>>) dst(%dma_wait3A_111 : memref<50x128xf32, #tpu.memory_space<vmem>>)
      %add3A_118 = arith.addi %mul3A_2, %add3A_107 : i32
      %dma_start3A_119 = arith.constant 0 : i32
      %dma_start3A_120 = arith.constant 0 : i32
      %dma_start3A_121 = arith.constant 0 : i32
      %dma_start3A_122 = tpu.memref_slice %arg6[%dma_start3A_119, %dma_start3A_120, %dma_start3A_121] : memref<8x50x128xf32, #tpu.memory_space<vmem>> -> memref<1x50x128xf32, #tpu.memory_space<vmem>>
      %dma_start3A_123 = tpu.memref_squeeze %dma_start3A_122 : memref<1x50x128xf32, #tpu.memory_space<vmem>> -> memref<50x128xf32, #tpu.memory_space<vmem>>
      %dma_start3A_124 = arith.constant 0 : i32
      %dma_start3A_125 = arith.constant 0 : i32
      %dma_start3A_126 = tpu.memref_slice %arg4[%add3A_118, %dma_start3A_124, %dma_start3A_125] : memref<16384x50x128xf32, #tpu.memory_space<hbm>> -> memref<1x50x128xf32, #tpu.memory_space<hbm>>
      %dma_start3A_127 = tpu.memref_squeeze %dma_start3A_126 : memref<1x50x128xf32, #tpu.memory_space<hbm>> -> memref<50x128xf32, #tpu.memory_space<hbm>>
      %dma_start3A_128 = arith.constant 0 : i32
      %dma_start3A_129 = arith.constant 0 : i32
      %dma_start3A_130 = tpu.memref_slice %arg4[%add3A_118, %dma_start3A_128, %dma_start3A_129] : memref<16384x50x128xf32, #tpu.memory_space<hbm>> -> memref<1x50x128xf32, #tpu.memory_space<hbm>>
      %dma_start3A_131 = tpu.memref_squeeze %dma_start3A_130 : memref<1x50x128xf32, #tpu.memory_space<hbm>> -> memref<50x128xf32, #tpu.memory_space<hbm>>
      %dma_start3A_132 = arith.constant 0 : i32
      %dma_start3A_133 = arith.constant 0 : i32
      %dma_start3A_134 = tpu.memref_slice %arg6[%dma_start3A_119, %dma_start3A_132, %dma_start3A_133] : memref<8x50x128xf32, #tpu.memory_space<vmem>> -> memref<1x50x128xf32, #tpu.memory_space<vmem>>
      %dma_start3A_135 = tpu.memref_squeeze %dma_start3A_134 : memref<1x50x128xf32, #tpu.memory_space<vmem>> -> memref<50x128xf32, #tpu.memory_space<vmem>>
      tpu.enqueue_dma source(%dma_start3A_135 : memref<50x128xf32, #tpu.memory_space<vmem>>) target(%dma_start3A_131 : memref<50x128xf32, #tpu.memory_space<hbm>>) target_semaphore(%arg15 : memref<!tpu.dma_semaphore, #tpu.memory_space<semaphore_mem>>)
      %mul3A_136 = arith.constant 8 : i32
      %mul3A_137 = arith.muli %scan3A_103, %mul3A_136 : i32
      %add3A_138 = arith.constant 1 : i32
      %add3A_139 = arith.addi %mul3A_137, %add3A_138 : i32
      %dma_wait3A_140 = arith.constant 1 : i32
      %dma_wait3A_141 = arith.constant 0 : i32
      %dma_wait3A_142 = arith.constant 0 : i32
      %dma_wait3A_143 = tpu.memref_slice %arg6[%dma_wait3A_140, %dma_wait3A_141, %dma_wait3A_142] : memref<8x50x128xf32, #tpu.memory_space<vmem>> -> memref<1x50x128xf32, #tpu.memory_space<vmem>>
      %dma_wait3A_144 = tpu.memref_squeeze %dma_wait3A_143 : memref<1x50x128xf32, #tpu.memory_space<vmem>> -> memref<50x128xf32, #tpu.memory_space<vmem>>
      %dma_wait3A_145 = arith.constant 0 : i32
      %dma_wait3A_146 = tpu.memref_slice %arg5[%add3A_139, %dma_wait3A_145] : memref<512x50xi32, #tpu.memory_space<vmem>> -> memref<1x50xi32, #tpu.memory_space<vmem>>
      %dma_wait3A_147 = tpu.memref_squeeze %dma_wait3A_146 : memref<1x50xi32, #tpu.memory_space<vmem>> -> memref<50xi32, #tpu.memory_space<vmem>>
      %dma_wait3A_148 = arith.constant 0 : i32
      %dma_wait3A_149 = arith.constant 0 : i32
      %dma_wait3A_150 = tpu.memref_slice %arg2[%dma_wait3A_148, %dma_wait3A_149] : memref<1000x128xf32, #tpu.memory_space<hbm>> -> memref<1000x128xf32, #tpu.memory_space<hbm>>
      tpu.wait_indirect_dma semaphore(%arg8 : memref<!tpu.dma_semaphore, #tpu.memory_space<semaphore_mem>>) src(%dma_wait3A_150 : memref<1000x128xf32, #tpu.memory_space<hbm>>) dst(%dma_wait3A_144 : memref<50x128xf32, #tpu.memory_space<vmem>>)
      %add3A_151 = arith.addi %mul3A_2, %add3A_139 : i32
      %dma_start3A_152 = arith.constant 1 : i32
      %dma_start3A_153 = arith.constant 0 : i32
      %dma_start3A_154 = arith.constant 0 : i32
      %dma_start3A_155 = tpu.memref_slice %arg6[%dma_start3A_152, %dma_start3A_153, %dma_start3A_154] : memref<8x50x128xf32, #tpu.memory_space<vmem>> -> memref<1x50x128xf32, #tpu.memory_space<vmem>>
      %dma_start3A_156 = tpu.memref_squeeze %dma_start3A_155 : memref<1x50x128xf32, #tpu.memory_space<vmem>> -> memref<50x128xf32, #tpu.memory_space<vmem>>
      %dma_start3A_157 = arith.constant 0 : i32
      %dma_start3A_158 = arith.constant 0 : i32
      %dma_start3A_159 = tpu.memref_slice %arg4[%add3A_151, %dma_start3A_157, %dma_start3A_158] : memref<16384x50x128xf32, #tpu.memory_space<hbm>> -> memref<1x50x128xf32, #tpu.memory_space<hbm>>
      %dma_start3A_160 = tpu.memref_squeeze %dma_start3A_159 : memref<1x50x128xf32, #tpu.memory_space<hbm>> -> memref<50x128xf32, #tpu.memory_space<hbm>>
      %dma_start3A_161 = arith.constant 0 : i32
      %dma_start3A_162 = arith.constant 0 : i32
      %dma_start3A_163 = tpu.memref_slice %arg4[%add3A_151, %dma_start3A_161, %dma_start3A_162] : memref<16384x50x128xf32, #tpu.memory_space<hbm>> -> memref<1x50x128xf32, #tpu.memory_space<hbm>>
      %dma_start3A_164 = tpu.memref_squeeze %dma_start3A_163 : memref<1x50x128xf32, #tpu.memory_space<hbm>> -> memref<50x128xf32, #tpu.memory_space<hbm>>
      %dma_start3A_165 = arith.constant 0 : i32
      %dma_start3A_166 = arith.constant 0 : i32
      %dma_start3A_167 = tpu.memref_slice %arg6[%dma_start3A_152, %dma_start3A_165, %dma_start3A_166] : memref<8x50x128xf32, #tpu.memory_space<vmem>> -> memref<1x50x128xf32, #tpu.memory_space<vmem>>
      %dma_start3A_168 = tpu.memref_squeeze %dma_start3A_167 : memref<1x50x128xf32, #tpu.memory_space<vmem>> -> memref<50x128xf32, #tpu.memory_space<vmem>>
      tpu.enqueue_dma source(%dma_start3A_168 : memref<50x128xf32, #tpu.memory_space<vmem>>) target(%dma_start3A_164 : memref<50x128xf32, #tpu.memory_space<hbm>>) target_semaphore(%arg16 : memref<!tpu.dma_semaphore, #tpu.memory_space<semaphore_mem>>)
      %mul3A_169 = arith.constant 8 : i32
      %mul3A_170 = arith.muli %scan3A_103, %mul3A_169 : i32
      %add3A_171 = arith.constant 2 : i32
      %add3A_172 = arith.addi %mul3A_170, %add3A_171 : i32
      %dma_wait3A_173 = arith.constant 2 : i32
      %dma_wait3A_174 = arith.constant 0 : i32
      %dma_wait3A_175 = arith.constant 0 : i32
      %dma_wait3A_176 = tpu.memref_slice %arg6[%dma_wait3A_173, %dma_wait3A_174, %dma_wait3A_175] : memref<8x50x128xf32, #tpu.memory_space<vmem>> -> memref<1x50x128xf32, #tpu.memory_space<vmem>>
      %dma_wait3A_177 = tpu.memref_squeeze %dma_wait3A_176 : memref<1x50x128xf32, #tpu.memory_space<vmem>> -> memref<50x128xf32, #tpu.memory_space<vmem>>
      %dma_wait3A_178 = arith.constant 0 : i32
      %dma_wait3A_179 = tpu.memref_slice %arg5[%add3A_172, %dma_wait3A_178] : memref<512x50xi32, #tpu.memory_space<vmem>> -> memref<1x50xi32, #tpu.memory_space<vmem>>
      %dma_wait3A_180 = tpu.memref_squeeze %dma_wait3A_179 : memref<1x50xi32, #tpu.memory_space<vmem>> -> memref<50xi32, #tpu.memory_space<vmem>>
      %dma_wait3A_181 = arith.constant 0 : i32
      %dma_wait3A_182 = arith.constant 0 : i32
      %dma_wait3A_183 = tpu.memref_slice %arg2[%dma_wait3A_181, %dma_wait3A_182] : memref<1000x128xf32, #tpu.memory_space<hbm>> -> memref<1000x128xf32, #tpu.memory_space<hbm>>
      tpu.wait_indirect_dma semaphore(%arg9 : memref<!tpu.dma_semaphore, #tpu.memory_space<semaphore_mem>>) src(%dma_wait3A_183 : memref<1000x128xf32, #tpu.memory_space<hbm>>) dst(%dma_wait3A_177 : memref<50x128xf32, #tpu.memory_space<vmem>>)
      %add3A_184 = arith.addi %mul3A_2, %add3A_172 : i32
      %dma_start3A_185 = arith.constant 2 : i32
      %dma_start3A_186 = arith.constant 0 : i32
      %dma_start3A_187 = arith.constant 0 : i32
      %dma_start3A_188 = tpu.memref_slice %arg6[%dma_start3A_185, %dma_start3A_186, %dma_start3A_187] : memref<8x50x128xf32, #tpu.memory_space<vmem>> -> memref<1x50x128xf32, #tpu.memory_space<vmem>>
      %dma_start3A_189 = tpu.memref_squeeze %dma_start3A_188 : memref<1x50x128xf32, #tpu.memory_space<vmem>> -> memref<50x128xf32, #tpu.memory_space<vmem>>
      %dma_start3A_190 = arith.constant 0 : i32
      %dma_start3A_191 = arith.constant 0 : i32
      %dma_start3A_192 = tpu.memref_slice %arg4[%add3A_184, %dma_start3A_190, %dma_start3A_191] : memref<16384x50x128xf32, #tpu.memory_space<hbm>> -> memref<1x50x128xf32, #tpu.memory_space<hbm>>
      %dma_start3A_193 = tpu.memref_squeeze %dma_start3A_192 : memref<1x50x128xf32, #tpu.memory_space<hbm>> -> memref<50x128xf32, #tpu.memory_space<hbm>>
      %dma_start3A_194 = arith.constant 0 : i32
      %dma_start3A_195 = arith.constant 0 : i32
      %dma_start3A_196 = tpu.memref_slice %arg4[%add3A_184, %dma_start3A_194, %dma_start3A_195] : memref<16384x50x128xf32, #tpu.memory_space<hbm>> -> memref<1x50x128xf32, #tpu.memory_space<hbm>>
      %dma_start3A_197 = tpu.memref_squeeze %dma_start3A_196 : memref<1x50x128xf32, #tpu.memory_space<hbm>> -> memref<50x128xf32, #tpu.memory_space<hbm>>
      %dma_start3A_198 = arith.constant 0 : i32
      %dma_start3A_199 = arith.constant 0 : i32
      %dma_start3A_200 = tpu.memref_slice %arg6[%dma_start3A_185, %dma_start3A_198, %dma_start3A_199] : memref<8x50x128xf32, #tpu.memory_space<vmem>> -> memref<1x50x128xf32, #tpu.memory_space<vmem>>
      %dma_start3A_201 = tpu.memref_squeeze %dma_start3A_200 : memref<1x50x128xf32, #tpu.memory_space<vmem>> -> memref<50x128xf32, #tpu.memory_space<vmem>>
      tpu.enqueue_dma source(%dma_start3A_201 : memref<50x128xf32, #tpu.memory_space<vmem>>) target(%dma_start3A_197 : memref<50x128xf32, #tpu.memory_space<hbm>>) target_semaphore(%arg17 : memref<!tpu.dma_semaphore, #tpu.memory_space<semaphore_mem>>)
      %mul3A_202 = arith.constant 8 : i32
      %mul3A_203 = arith.muli %scan3A_103, %mul3A_202 : i32
      %add3A_204 = arith.constant 3 : i32
      %add3A_205 = arith.addi %mul3A_203, %add3A_204 : i32
      %dma_wait3A_206 = arith.constant 3 : i32
      %dma_wait3A_207 = arith.constant 0 : i32
      %dma_wait3A_208 = arith.constant 0 : i32
      %dma_wait3A_209 = tpu.memref_slice %arg6[%dma_wait3A_206, %dma_wait3A_207, %dma_wait3A_208] : memref<8x50x128xf32, #tpu.memory_space<vmem>> -> memref<1x50x128xf32, #tpu.memory_space<vmem>>
      %dma_wait3A_210 = tpu.memref_squeeze %dma_wait3A_209 : memref<1x50x128xf32, #tpu.memory_space<vmem>> -> memref<50x128xf32, #tpu.memory_space<vmem>>
      %dma_wait3A_211 = arith.constant 0 : i32
      %dma_wait3A_212 = tpu.memref_slice %arg5[%add3A_205, %dma_wait3A_211] : memref<512x50xi32, #tpu.memory_space<vmem>> -> memref<1x50xi32, #tpu.memory_space<vmem>>
      %dma_wait3A_213 = tpu.memref_squeeze %dma_wait3A_212 : memref<1x50xi32, #tpu.memory_space<vmem>> -> memref<50xi32, #tpu.memory_space<vmem>>
      %dma_wait3A_214 = arith.constant 0 : i32
      %dma_wait3A_215 = arith.constant 0 : i32
      %dma_wait3A_216 = tpu.memref_slice %arg2[%dma_wait3A_214, %dma_wait3A_215] : memref<1000x128xf32, #tpu.memory_space<hbm>> -> memref<1000x128xf32, #tpu.memory_space<hbm>>
      tpu.wait_indirect_dma semaphore(%arg10 : memref<!tpu.dma_semaphore, #tpu.memory_space<semaphore_mem>>) src(%dma_wait3A_216 : memref<1000x128xf32, #tpu.memory_space<hbm>>) dst(%dma_wait3A_210 : memref<50x128xf32, #tpu.memory_space<vmem>>)
      %add3A_217 = arith.addi %mul3A_2, %add3A_205 : i32
      %dma_start3A_218 = arith.constant 3 : i32
      %dma_start3A_219 = arith.constant 0 : i32
      %dma_start3A_220 = arith.constant 0 : i32
      %dma_start3A_221 = tpu.memref_slice %arg6[%dma_start3A_218, %dma_start3A_219, %dma_start3A_220] : memref<8x50x128xf32, #tpu.memory_space<vmem>> -> memref<1x50x128xf32, #tpu.memory_space<vmem>>
      %dma_start3A_222 = tpu.memref_squeeze %dma_start3A_221 : memref<1x50x128xf32, #tpu.memory_space<vmem>> -> memref<50x128xf32, #tpu.memory_space<vmem>>
      %dma_start3A_223 = arith.constant 0 : i32
      %dma_start3A_224 = arith.constant 0 : i32
      %dma_start3A_225 = tpu.memref_slice %arg4[%add3A_217, %dma_start3A_223, %dma_start3A_224] : memref<16384x50x128xf32, #tpu.memory_space<hbm>> -> memref<1x50x128xf32, #tpu.memory_space<hbm>>
      %dma_start3A_226 = tpu.memref_squeeze %dma_start3A_225 : memref<1x50x128xf32, #tpu.memory_space<hbm>> -> memref<50x128xf32, #tpu.memory_space<hbm>>
      %dma_start3A_227 = arith.constant 0 : i32
      %dma_start3A_228 = arith.constant 0 : i32
      %dma_start3A_229 = tpu.memref_slice %arg4[%add3A_217, %dma_start3A_227, %dma_start3A_228] : memref<16384x50x128xf32, #tpu.memory_space<hbm>> -> memref<1x50x128xf32, #tpu.memory_space<hbm>>
      %dma_start3A_230 = tpu.memref_squeeze %dma_start3A_229 : memref<1x50x128xf32, #tpu.memory_space<hbm>> -> memref<50x128xf32, #tpu.memory_space<hbm>>
      %dma_start3A_231 = arith.constant 0 : i32
      %dma_start3A_232 = arith.constant 0 : i32
      %dma_start3A_233 = tpu.memref_slice %arg6[%dma_start3A_218, %dma_start3A_231, %dma_start3A_232] : memref<8x50x128xf32, #tpu.memory_space<vmem>> -> memref<1x50x128xf32, #tpu.memory_space<vmem>>
      %dma_start3A_234 = tpu.memref_squeeze %dma_start3A_233 : memref<1x50x128xf32, #tpu.memory_space<vmem>> -> memref<50x128xf32, #tpu.memory_space<vmem>>
      tpu.enqueue_dma source(%dma_start3A_234 : memref<50x128xf32, #tpu.memory_space<vmem>>) target(%dma_start3A_230 : memref<50x128xf32, #tpu.memory_space<hbm>>) target_semaphore(%arg18 : memref<!tpu.dma_semaphore, #tpu.memory_space<semaphore_mem>>)
      %mul3A_235 = arith.constant 8 : i32
      %mul3A_236 = arith.muli %scan3A_103, %mul3A_235 : i32
      %add3A_237 = arith.constant 4 : i32
      %add3A_238 = arith.addi %mul3A_236, %add3A_237 : i32
      %dma_wait3A_239 = arith.constant 4 : i32
      %dma_wait3A_240 = arith.constant 0 : i32
      %dma_wait3A_241 = arith.constant 0 : i32
      %dma_wait3A_242 = tpu.memref_slice %arg6[%dma_wait3A_239, %dma_wait3A_240, %dma_wait3A_241] : memref<8x50x128xf32, #tpu.memory_space<vmem>> -> memref<1x50x128xf32, #tpu.memory_space<vmem>>
      %dma_wait3A_243 = tpu.memref_squeeze %dma_wait3A_242 : memref<1x50x128xf32, #tpu.memory_space<vmem>> -> memref<50x128xf32, #tpu.memory_space<vmem>>
      %dma_wait3A_244 = arith.constant 0 : i32
      %dma_wait3A_245 = tpu.memref_slice %arg5[%add3A_238, %dma_wait3A_244] : memref<512x50xi32, #tpu.memory_space<vmem>> -> memref<1x50xi32, #tpu.memory_space<vmem>>
      %dma_wait3A_246 = tpu.memref_squeeze %dma_wait3A_245 : memref<1x50xi32, #tpu.memory_space<vmem>> -> memref<50xi32, #tpu.memory_space<vmem>>
      %dma_wait3A_247 = arith.constant 0 : i32
      %dma_wait3A_248 = arith.constant 0 : i32
      %dma_wait3A_249 = tpu.memref_slice %arg2[%dma_wait3A_247, %dma_wait3A_248] : memref<1000x128xf32, #tpu.memory_space<hbm>> -> memref<1000x128xf32, #tpu.memory_space<hbm>>
      tpu.wait_indirect_dma semaphore(%arg11 : memref<!tpu.dma_semaphore, #tpu.memory_space<semaphore_mem>>) src(%dma_wait3A_249 : memref<1000x128xf32, #tpu.memory_space<hbm>>) dst(%dma_wait3A_243 : memref<50x128xf32, #tpu.memory_space<vmem>>)
      %add3A_250 = arith.addi %mul3A_2, %add3A_238 : i32
      %dma_start3A_251 = arith.constant 4 : i32
      %dma_start3A_252 = arith.constant 0 : i32
      %dma_start3A_253 = arith.constant 0 : i32
      %dma_start3A_254 = tpu.memref_slice %arg6[%dma_start3A_251, %dma_start3A_252, %dma_start3A_253] : memref<8x50x128xf32, #tpu.memory_space<vmem>> -> memref<1x50x128xf32, #tpu.memory_space<vmem>>
      %dma_start3A_255 = tpu.memref_squeeze %dma_start3A_254 : memref<1x50x128xf32, #tpu.memory_space<vmem>> -> memref<50x128xf32, #tpu.memory_space<vmem>>
      %dma_start3A_256 = arith.constant 0 : i32
      %dma_start3A_257 = arith.constant 0 : i32
      %dma_start3A_258 = tpu.memref_slice %arg4[%add3A_250, %dma_start3A_256, %dma_start3A_257] : memref<16384x50x128xf32, #tpu.memory_space<hbm>> -> memref<1x50x128xf32, #tpu.memory_space<hbm>>
      %dma_start3A_259 = tpu.memref_squeeze %dma_start3A_258 : memref<1x50x128xf32, #tpu.memory_space<hbm>> -> memref<50x128xf32, #tpu.memory_space<hbm>>
      %dma_start3A_260 = arith.constant 0 : i32
      %dma_start3A_261 = arith.constant 0 : i32
      %dma_start3A_262 = tpu.memref_slice %arg4[%add3A_250, %dma_start3A_260, %dma_start3A_261] : memref<16384x50x128xf32, #tpu.memory_space<hbm>> -> memref<1x50x128xf32, #tpu.memory_space<hbm>>
      %dma_start3A_263 = tpu.memref_squeeze %dma_start3A_262 : memref<1x50x128xf32, #tpu.memory_space<hbm>> -> memref<50x128xf32, #tpu.memory_space<hbm>>
      %dma_start3A_264 = arith.constant 0 : i32
      %dma_start3A_265 = arith.constant 0 : i32
      %dma_start3A_266 = tpu.memref_slice %arg6[%dma_start3A_251, %dma_start3A_264, %dma_start3A_265] : memref<8x50x128xf32, #tpu.memory_space<vmem>> -> memref<1x50x128xf32, #tpu.memory_space<vmem>>
      %dma_start3A_267 = tpu.memref_squeeze %dma_start3A_266 : memref<1x50x128xf32, #tpu.memory_space<vmem>> -> memref<50x128xf32, #tpu.memory_space<vmem>>
      tpu.enqueue_dma source(%dma_start3A_267 : memref<50x128xf32, #tpu.memory_space<vmem>>) target(%dma_start3A_263 : memref<50x128xf32, #tpu.memory_space<hbm>>) target_semaphore(%arg19 : memref<!tpu.dma_semaphore, #tpu.memory_space<semaphore_mem>>)
      %mul3A_268 = arith.constant 8 : i32
      %mul3A_269 = arith.muli %scan3A_103, %mul3A_268 : i32
      %add3A_270 = arith.constant 5 : i32
      %add3A_271 = arith.addi %mul3A_269, %add3A_270 : i32
      %dma_wait3A_272 = arith.constant 5 : i32
      %dma_wait3A_273 = arith.constant 0 : i32
      %dma_wait3A_274 = arith.constant 0 : i32
      %dma_wait3A_275 = tpu.memref_slice %arg6[%dma_wait3A_272, %dma_wait3A_273, %dma_wait3A_274] : memref<8x50x128xf32, #tpu.memory_space<vmem>> -> memref<1x50x128xf32, #tpu.memory_space<vmem>>
      %dma_wait3A_276 = tpu.memref_squeeze %dma_wait3A_275 : memref<1x50x128xf32, #tpu.memory_space<vmem>> -> memref<50x128xf32, #tpu.memory_space<vmem>>
      %dma_wait3A_277 = arith.constant 0 : i32
      %dma_wait3A_278 = tpu.memref_slice %arg5[%add3A_271, %dma_wait3A_277] : memref<512x50xi32, #tpu.memory_space<vmem>> -> memref<1x50xi32, #tpu.memory_space<vmem>>
      %dma_wait3A_279 = tpu.memref_squeeze %dma_wait3A_278 : memref<1x50xi32, #tpu.memory_space<vmem>> -> memref<50xi32, #tpu.memory_space<vmem>>
      %dma_wait3A_280 = arith.constant 0 : i32
      %dma_wait3A_281 = arith.constant 0 : i32
      %dma_wait3A_282 = tpu.memref_slice %arg2[%dma_wait3A_280, %dma_wait3A_281] : memref<1000x128xf32, #tpu.memory_space<hbm>> -> memref<1000x128xf32, #tpu.memory_space<hbm>>
      tpu.wait_indirect_dma semaphore(%arg12 : memref<!tpu.dma_semaphore, #tpu.memory_space<semaphore_mem>>) src(%dma_wait3A_282 : memref<1000x128xf32, #tpu.memory_space<hbm>>) dst(%dma_wait3A_276 : memref<50x128xf32, #tpu.memory_space<vmem>>)
      %add3A_283 = arith.addi %mul3A_2, %add3A_271 : i32
      %dma_start3A_284 = arith.constant 5 : i32
      %dma_start3A_285 = arith.constant 0 : i32
      %dma_start3A_286 = arith.constant 0 : i32
      %dma_start3A_287 = tpu.memref_slice %arg6[%dma_start3A_284, %dma_start3A_285, %dma_start3A_286] : memref<8x50x128xf32, #tpu.memory_space<vmem>> -> memref<1x50x128xf32, #tpu.memory_space<vmem>>
      %dma_start3A_288 = tpu.memref_squeeze %dma_start3A_287 : memref<1x50x128xf32, #tpu.memory_space<vmem>> -> memref<50x128xf32, #tpu.memory_space<vmem>>
      %dma_start3A_289 = arith.constant 0 : i32
      %dma_start3A_290 = arith.constant 0 : i32
      %dma_start3A_291 = tpu.memref_slice %arg4[%add3A_283, %dma_start3A_289, %dma_start3A_290] : memref<16384x50x128xf32, #tpu.memory_space<hbm>> -> memref<1x50x128xf32, #tpu.memory_space<hbm>>
      %dma_start3A_292 = tpu.memref_squeeze %dma_start3A_291 : memref<1x50x128xf32, #tpu.memory_space<hbm>> -> memref<50x128xf32, #tpu.memory_space<hbm>>
      %dma_start3A_293 = arith.constant 0 : i32
      %dma_start3A_294 = arith.constant 0 : i32
      %dma_start3A_295 = tpu.memref_slice %arg4[%add3A_283, %dma_start3A_293, %dma_start3A_294] : memref<16384x50x128xf32, #tpu.memory_space<hbm>> -> memref<1x50x128xf32, #tpu.memory_space<hbm>>
      %dma_start3A_296 = tpu.memref_squeeze %dma_start3A_295 : memref<1x50x128xf32, #tpu.memory_space<hbm>> -> memref<50x128xf32, #tpu.memory_space<hbm>>
      %dma_start3A_297 = arith.constant 0 : i32
      %dma_start3A_298 = arith.constant 0 : i32
      %dma_start3A_299 = tpu.memref_slice %arg6[%dma_start3A_284, %dma_start3A_297, %dma_start3A_298] : memref<8x50x128xf32, #tpu.memory_space<vmem>> -> memref<1x50x128xf32, #tpu.memory_space<vmem>>
      %dma_start3A_300 = tpu.memref_squeeze %dma_start3A_299 : memref<1x50x128xf32, #tpu.memory_space<vmem>> -> memref<50x128xf32, #tpu.memory_space<vmem>>
      tpu.enqueue_dma source(%dma_start3A_300 : memref<50x128xf32, #tpu.memory_space<vmem>>) target(%dma_start3A_296 : memref<50x128xf32, #tpu.memory_space<hbm>>) target_semaphore(%arg20 : memref<!tpu.dma_semaphore, #tpu.memory_space<semaphore_mem>>)
      %mul3A_301 = arith.constant 8 : i32
      %mul3A_302 = arith.muli %scan3A_103, %mul3A_301 : i32
      %add3A_303 = arith.constant 6 : i32
      %add3A_304 = arith.addi %mul3A_302, %add3A_303 : i32
      %dma_wait3A_305 = arith.constant 6 : i32
      %dma_wait3A_306 = arith.constant 0 : i32
      %dma_wait3A_307 = arith.constant 0 : i32
      %dma_wait3A_308 = tpu.memref_slice %arg6[%dma_wait3A_305, %dma_wait3A_306, %dma_wait3A_307] : memref<8x50x128xf32, #tpu.memory_space<vmem>> -> memref<1x50x128xf32, #tpu.memory_space<vmem>>
      %dma_wait3A_309 = tpu.memref_squeeze %dma_wait3A_308 : memref<1x50x128xf32, #tpu.memory_space<vmem>> -> memref<50x128xf32, #tpu.memory_space<vmem>>
      %dma_wait3A_310 = arith.constant 0 : i32
      %dma_wait3A_311 = tpu.memref_slice %arg5[%add3A_304, %dma_wait3A_310] : memref<512x50xi32, #tpu.memory_space<vmem>> -> memref<1x50xi32, #tpu.memory_space<vmem>>
      %dma_wait3A_312 = tpu.memref_squeeze %dma_wait3A_311 : memref<1x50xi32, #tpu.memory_space<vmem>> -> memref<50xi32, #tpu.memory_space<vmem>>
      %dma_wait3A_313 = arith.constant 0 : i32
      %dma_wait3A_314 = arith.constant 0 : i32
      %dma_wait3A_315 = tpu.memref_slice %arg2[%dma_wait3A_313, %dma_wait3A_314] : memref<1000x128xf32, #tpu.memory_space<hbm>> -> memref<1000x128xf32, #tpu.memory_space<hbm>>
      tpu.wait_indirect_dma semaphore(%arg13 : memref<!tpu.dma_semaphore, #tpu.memory_space<semaphore_mem>>) src(%dma_wait3A_315 : memref<1000x128xf32, #tpu.memory_space<hbm>>) dst(%dma_wait3A_309 : memref<50x128xf32, #tpu.memory_space<vmem>>)
      %add3A_316 = arith.addi %mul3A_2, %add3A_304 : i32
      %dma_start3A_317 = arith.constant 6 : i32
      %dma_start3A_318 = arith.constant 0 : i32
      %dma_start3A_319 = arith.constant 0 : i32
      %dma_start3A_320 = tpu.memref_slice %arg6[%dma_start3A_317, %dma_start3A_318, %dma_start3A_319] : memref<8x50x128xf32, #tpu.memory_space<vmem>> -> memref<1x50x128xf32, #tpu.memory_space<vmem>>
      %dma_start3A_321 = tpu.memref_squeeze %dma_start3A_320 : memref<1x50x128xf32, #tpu.memory_space<vmem>> -> memref<50x128xf32, #tpu.memory_space<vmem>>
      %dma_start3A_322 = arith.constant 0 : i32
      %dma_start3A_323 = arith.constant 0 : i32
      %dma_start3A_324 = tpu.memref_slice %arg4[%add3A_316, %dma_start3A_322, %dma_start3A_323] : memref<16384x50x128xf32, #tpu.memory_space<hbm>> -> memref<1x50x128xf32, #tpu.memory_space<hbm>>
      %dma_start3A_325 = tpu.memref_squeeze %dma_start3A_324 : memref<1x50x128xf32, #tpu.memory_space<hbm>> -> memref<50x128xf32, #tpu.memory_space<hbm>>
      %dma_start3A_326 = arith.constant 0 : i32
      %dma_start3A_327 = arith.constant 0 : i32
      %dma_start3A_328 = tpu.memref_slice %arg4[%add3A_316, %dma_start3A_326, %dma_start3A_327] : memref<16384x50x128xf32, #tpu.memory_space<hbm>> -> memref<1x50x128xf32, #tpu.memory_space<hbm>>
      %dma_start3A_329 = tpu.memref_squeeze %dma_start3A_328 : memref<1x50x128xf32, #tpu.memory_space<hbm>> -> memref<50x128xf32, #tpu.memory_space<hbm>>
      %dma_start3A_330 = arith.constant 0 : i32
      %dma_start3A_331 = arith.constant 0 : i32
      %dma_start3A_332 = tpu.memref_slice %arg6[%dma_start3A_317, %dma_start3A_330, %dma_start3A_331] : memref<8x50x128xf32, #tpu.memory_space<vmem>> -> memref<1x50x128xf32, #tpu.memory_space<vmem>>
      %dma_start3A_333 = tpu.memref_squeeze %dma_start3A_332 : memref<1x50x128xf32, #tpu.memory_space<vmem>> -> memref<50x128xf32, #tpu.memory_space<vmem>>
      tpu.enqueue_dma source(%dma_start3A_333 : memref<50x128xf32, #tpu.memory_space<vmem>>) target(%dma_start3A_329 : memref<50x128xf32, #tpu.memory_space<hbm>>) target_semaphore(%arg21 : memref<!tpu.dma_semaphore, #tpu.memory_space<semaphore_mem>>)
      %mul3A_334 = arith.constant 8 : i32
      %mul3A_335 = arith.muli %scan3A_103, %mul3A_334 : i32
      %add3A_336 = arith.constant 7 : i32
      %add3A_337 = arith.addi %mul3A_335, %add3A_336 : i32
      %dma_wait3A_338 = arith.constant 7 : i32
      %dma_wait3A_339 = arith.constant 0 : i32
      %dma_wait3A_340 = arith.constant 0 : i32
      %dma_wait3A_341 = tpu.memref_slice %arg6[%dma_wait3A_338, %dma_wait3A_339, %dma_wait3A_340] : memref<8x50x128xf32, #tpu.memory_space<vmem>> -> memref<1x50x128xf32, #tpu.memory_space<vmem>>
      %dma_wait3A_342 = tpu.memref_squeeze %dma_wait3A_341 : memref<1x50x128xf32, #tpu.memory_space<vmem>> -> memref<50x128xf32, #tpu.memory_space<vmem>>
      %dma_wait3A_343 = arith.constant 0 : i32
      %dma_wait3A_344 = tpu.memref_slice %arg5[%add3A_337, %dma_wait3A_343] : memref<512x50xi32, #tpu.memory_space<vmem>> -> memref<1x50xi32, #tpu.memory_space<vmem>>
      %dma_wait3A_345 = tpu.memref_squeeze %dma_wait3A_344 : memref<1x50xi32, #tpu.memory_space<vmem>> -> memref<50xi32, #tpu.memory_space<vmem>>
      %dma_wait3A_346 = arith.constant 0 : i32
      %dma_wait3A_347 = arith.constant 0 : i32
      %dma_wait3A_348 = tpu.memref_slice %arg2[%dma_wait3A_346, %dma_wait3A_347] : memref<1000x128xf32, #tpu.memory_space<hbm>> -> memref<1000x128xf32, #tpu.memory_space<hbm>>
      tpu.wait_indirect_dma semaphore(%arg14 : memref<!tpu.dma_semaphore, #tpu.memory_space<semaphore_mem>>) src(%dma_wait3A_348 : memref<1000x128xf32, #tpu.memory_space<hbm>>) dst(%dma_wait3A_342 : memref<50x128xf32, #tpu.memory_space<vmem>>)
      %add3A_349 = arith.addi %mul3A_2, %add3A_337 : i32
      %dma_start3A_350 = arith.constant 7 : i32
      %dma_start3A_351 = arith.constant 0 : i32
      %dma_start3A_352 = arith.constant 0 : i32
      %dma_start3A_353 = tpu.memref_slice %arg6[%dma_start3A_350, %dma_start3A_351, %dma_start3A_352] : memref<8x50x128xf32, #tpu.memory_space<vmem>> -> memref<1x50x128xf32, #tpu.memory_space<vmem>>
      %dma_start3A_354 = tpu.memref_squeeze %dma_start3A_353 : memref<1x50x128xf32, #tpu.memory_space<vmem>> -> memref<50x128xf32, #tpu.memory_space<vmem>>
      %dma_start3A_355 = arith.constant 0 : i32
      %dma_start3A_356 = arith.constant 0 : i32
      %dma_start3A_357 = tpu.memref_slice %arg4[%add3A_349, %dma_start3A_355, %dma_start3A_356] : memref<16384x50x128xf32, #tpu.memory_space<hbm>> -> memref<1x50x128xf32, #tpu.memory_space<hbm>>
      %dma_start3A_358 = tpu.memref_squeeze %dma_start3A_357 : memref<1x50x128xf32, #tpu.memory_space<hbm>> -> memref<50x128xf32, #tpu.memory_space<hbm>>
      %dma_start3A_359 = arith.constant 0 : i32
      %dma_start3A_360 = arith.constant 0 : i32
      %dma_start3A_361 = tpu.memref_slice %arg4[%add3A_349, %dma_start3A_359, %dma_start3A_360] : memref<16384x50x128xf32, #tpu.memory_space<hbm>> -> memref<1x50x128xf32, #tpu.memory_space<hbm>>
      %dma_start3A_362 = tpu.memref_squeeze %dma_start3A_361 : memref<1x50x128xf32, #tpu.memory_space<hbm>> -> memref<50x128xf32, #tpu.memory_space<hbm>>
      %dma_start3A_363 = arith.constant 0 : i32
      %dma_start3A_364 = arith.constant 0 : i32
      %dma_start3A_365 = tpu.memref_slice %arg6[%dma_start3A_350, %dma_start3A_363, %dma_start3A_364] : memref<8x50x128xf32, #tpu.memory_space<vmem>> -> memref<1x50x128xf32, #tpu.memory_space<vmem>>
      %dma_start3A_366 = tpu.memref_squeeze %dma_start3A_365 : memref<1x50x128xf32, #tpu.memory_space<vmem>> -> memref<50x128xf32, #tpu.memory_space<vmem>>
      tpu.enqueue_dma source(%dma_start3A_366 : memref<50x128xf32, #tpu.memory_space<vmem>>) target(%dma_start3A_362 : memref<50x128xf32, #tpu.memory_space<hbm>>) target_semaphore(%arg22 : memref<!tpu.dma_semaphore, #tpu.memory_space<semaphore_mem>>)
      %mul3A_367 = arith.constant 8 : i32
      %mul3A_368 = arith.muli %scan3A_103, %mul3A_367 : i32
      %add3A_369 = arith.constant 0 : i32
      %add3A_370 = arith.addi %mul3A_368, %add3A_369 : i32
      %add3A_371 = arith.addi %mul3A_2, %add3A_370 : i32
      %dma_wait3A_372 = arith.constant 0 : i32
      %dma_wait3A_373 = arith.constant 0 : i32
      %dma_wait3A_374 = arith.constant 0 : i32
      %dma_wait3A_375 = tpu.memref_slice %arg6[%dma_wait3A_372, %dma_wait3A_373, %dma_wait3A_374] : memref<8x50x128xf32, #tpu.memory_space<vmem>> -> memref<1x50x128xf32, #tpu.memory_space<vmem>>
      %dma_wait3A_376 = tpu.memref_squeeze %dma_wait3A_375 : memref<1x50x128xf32, #tpu.memory_space<vmem>> -> memref<50x128xf32, #tpu.memory_space<vmem>>
      %dma_wait3A_377 = arith.constant 0 : i32
      %dma_wait3A_378 = arith.constant 0 : i32
      %dma_wait3A_379 = tpu.memref_slice %arg4[%add3A_371, %dma_wait3A_377, %dma_wait3A_378] : memref<16384x50x128xf32, #tpu.memory_space<hbm>> -> memref<1x50x128xf32, #tpu.memory_space<hbm>>
      %dma_wait3A_380 = tpu.memref_squeeze %dma_wait3A_379 : memref<1x50x128xf32, #tpu.memory_space<hbm>> -> memref<50x128xf32, #tpu.memory_space<hbm>>
      %dma_wait3A_381 = arith.constant 0 : i32
      %dma_wait3A_382 = arith.constant 0 : i32
      %dma_wait3A_383 = tpu.memref_slice %arg4[%add3A_371, %dma_wait3A_381, %dma_wait3A_382] : memref<16384x50x128xf32, #tpu.memory_space<hbm>> -> memref<1x50x128xf32, #tpu.memory_space<hbm>>
      %dma_wait3A_384 = tpu.memref_squeeze %dma_wait3A_383 : memref<1x50x128xf32, #tpu.memory_space<hbm>> -> memref<50x128xf32, #tpu.memory_space<hbm>>
      %dma_wait3A_385 = arith.constant 0 : i32
      %dma_wait3A_386 = arith.constant 0 : i32
      %dma_wait3A_387 = tpu.memref_slice %arg6[%dma_wait3A_372, %dma_wait3A_385, %dma_wait3A_386] : memref<8x50x128xf32, #tpu.memory_space<vmem>> -> memref<1x50x128xf32, #tpu.memory_space<vmem>>
      %dma_wait3A_388 = tpu.memref_squeeze %dma_wait3A_387 : memref<1x50x128xf32, #tpu.memory_space<vmem>> -> memref<50x128xf32, #tpu.memory_space<vmem>>
      tpu.wait_dma2 semaphore(%arg15 : memref<!tpu.dma_semaphore, #tpu.memory_space<semaphore_mem>>) src(%dma_wait3A_388 : memref<50x128xf32, #tpu.memory_space<vmem>>) dst(%dma_wait3A_384 : memref<50x128xf32, #tpu.memory_space<hbm>>)
      %add3A_389 = arith.constant 1 : i32
      %add3A_390 = arith.addi %scan3A_103, %add3A_389 : i32
      %lt3A = arith.constant 64 : i32
      %lt3A_391 = arith.cmpi slt, %add3A_390, %lt3A : i32
      %convert_element_type3A = arith.extui %lt3A_391 : i1 to i32
      %cond3A = arith.constant 0 : i32
      %cond3A_392 = arith.cmpi ne, %convert_element_type3A, %cond3A : i32
      scf.if %cond3A_392 {
        %add3A_596 = arith.constant 8 : i32
        %add3A_597 = arith.addi %add3A_370, %add3A_596 : i32
        %dma_start3A_598 = arith.constant 0 : i32
        %dma_start3A_599 = arith.constant 0 : i32
        %dma_start3A_600 = arith.constant 0 : i32
        %dma_start3A_601 = tpu.memref_slice %arg6[%dma_start3A_598, %dma_start3A_599, %dma_start3A_600] : memref<8x50x128xf32, #tpu.memory_space<vmem>> -> memref<1x50x128xf32, #tpu.memory_space<vmem>>
        %dma_start3A_602 = tpu.memref_squeeze %dma_start3A_601 : memref<1x50x128xf32, #tpu.memory_space<vmem>> -> memref<50x128xf32, #tpu.memory_space<vmem>>
        %dma_start3A_603 = arith.constant 0 : i32
        %dma_start3A_604 = tpu.memref_slice %arg5[%add3A_597, %dma_start3A_603] : memref<512x50xi32, #tpu.memory_space<vmem>> -> memref<1x50xi32, #tpu.memory_space<vmem>>
        %dma_start3A_605 = tpu.memref_squeeze %dma_start3A_604 : memref<1x50xi32, #tpu.memory_space<vmem>> -> memref<50xi32, #tpu.memory_space<vmem>>
        %dma_start3A_606 = arith.constant 0 : i32
        %dma_start3A_607 = arith.constant 0 : i32
        %dma_start3A_608 = tpu.memref_slice %arg2[%dma_start3A_606, %dma_start3A_607] : memref<1000x128xf32, #tpu.memory_space<hbm>> -> memref<1000x128xf32, #tpu.memory_space<hbm>>
        tpu.enqueue_indirect_dma source(%dma_start3A_608 : memref<1000x128xf32, #tpu.memory_space<hbm>>) target(%dma_start3A_602 : memref<50x128xf32, #tpu.memory_space<vmem>>) offsets(%dma_start3A_605 : memref<50xi32, #tpu.memory_space<vmem>>) semaphore(%arg7 : memref<!tpu.dma_semaphore, #tpu.memory_space<semaphore_mem>>)
      } else {
      }
      %mul3A_393 = arith.constant 8 : i32
      %mul3A_394 = arith.muli %scan3A_103, %mul3A_393 : i32
      %add3A_395 = arith.constant 1 : i32
      %add3A_396 = arith.addi %mul3A_394, %add3A_395 : i32
      %add3A_397 = arith.addi %mul3A_2, %add3A_396 : i32
      %dma_wait3A_398 = arith.constant 1 : i32
      %dma_wait3A_399 = arith.constant 0 : i32
      %dma_wait3A_400 = arith.constant 0 : i32
      %dma_wait3A_401 = tpu.memref_slice %arg6[%dma_wait3A_398, %dma_wait3A_399, %dma_wait3A_400] : memref<8x50x128xf32, #tpu.memory_space<vmem>> -> memref<1x50x128xf32, #tpu.memory_space<vmem>>
      %dma_wait3A_402 = tpu.memref_squeeze %dma_wait3A_401 : memref<1x50x128xf32, #tpu.memory_space<vmem>> -> memref<50x128xf32, #tpu.memory_space<vmem>>
      %dma_wait3A_403 = arith.constant 0 : i32
      %dma_wait3A_404 = arith.constant 0 : i32
      %dma_wait3A_405 = tpu.memref_slice %arg4[%add3A_397, %dma_wait3A_403, %dma_wait3A_404] : memref<16384x50x128xf32, #tpu.memory_space<hbm>> -> memref<1x50x128xf32, #tpu.memory_space<hbm>>
      %dma_wait3A_406 = tpu.memref_squeeze %dma_wait3A_405 : memref<1x50x128xf32, #tpu.memory_space<hbm>> -> memref<50x128xf32, #tpu.memory_space<hbm>>
      %dma_wait3A_407 = arith.constant 0 : i32
      %dma_wait3A_408 = arith.constant 0 : i32
      %dma_wait3A_409 = tpu.memref_slice %arg4[%add3A_397, %dma_wait3A_407, %dma_wait3A_408] : memref<16384x50x128xf32, #tpu.memory_space<hbm>> -> memref<1x50x128xf32, #tpu.memory_space<hbm>>
      %dma_wait3A_410 = tpu.memref_squeeze %dma_wait3A_409 : memref<1x50x128xf32, #tpu.memory_space<hbm>> -> memref<50x128xf32, #tpu.memory_space<hbm>>
      %dma_wait3A_411 = arith.constant 0 : i32
      %dma_wait3A_412 = arith.constant 0 : i32
      %dma_wait3A_413 = tpu.memref_slice %arg6[%dma_wait3A_398, %dma_wait3A_411, %dma_wait3A_412] : memref<8x50x128xf32, #tpu.memory_space<vmem>> -> memref<1x50x128xf32, #tpu.memory_space<vmem>>
      %dma_wait3A_414 = tpu.memref_squeeze %dma_wait3A_413 : memref<1x50x128xf32, #tpu.memory_space<vmem>> -> memref<50x128xf32, #tpu.memory_space<vmem>>
      tpu.wait_dma2 semaphore(%arg16 : memref<!tpu.dma_semaphore, #tpu.memory_space<semaphore_mem>>) src(%dma_wait3A_414 : memref<50x128xf32, #tpu.memory_space<vmem>>) dst(%dma_wait3A_410 : memref<50x128xf32, #tpu.memory_space<hbm>>)
      %add3A_415 = arith.constant 1 : i32
      %add3A_416 = arith.addi %scan3A_103, %add3A_415 : i32
      %lt3A_417 = arith.constant 64 : i32
      %lt3A_418 = arith.cmpi slt, %add3A_416, %lt3A_417 : i32
      %convert_element_type3A_419 = arith.extui %lt3A_418 : i1 to i32
      %cond3A_420 = arith.constant 0 : i32
      %cond3A_421 = arith.cmpi ne, %convert_element_type3A_419, %cond3A_420 : i32
      scf.if %cond3A_421 {
        %add3A_596 = arith.constant 8 : i32
        %add3A_597 = arith.addi %add3A_396, %add3A_596 : i32
        %dma_start3A_598 = arith.constant 1 : i32
        %dma_start3A_599 = arith.constant 0 : i32
        %dma_start3A_600 = arith.constant 0 : i32
        %dma_start3A_601 = tpu.memref_slice %arg6[%dma_start3A_598, %dma_start3A_599, %dma_start3A_600] : memref<8x50x128xf32, #tpu.memory_space<vmem>> -> memref<1x50x128xf32, #tpu.memory_space<vmem>>
        %dma_start3A_602 = tpu.memref_squeeze %dma_start3A_601 : memref<1x50x128xf32, #tpu.memory_space<vmem>> -> memref<50x128xf32, #tpu.memory_space<vmem>>
        %dma_start3A_603 = arith.constant 0 : i32
        %dma_start3A_604 = tpu.memref_slice %arg5[%add3A_597, %dma_start3A_603] : memref<512x50xi32, #tpu.memory_space<vmem>> -> memref<1x50xi32, #tpu.memory_space<vmem>>
        %dma_start3A_605 = tpu.memref_squeeze %dma_start3A_604 : memref<1x50xi32, #tpu.memory_space<vmem>> -> memref<50xi32, #tpu.memory_space<vmem>>
        %dma_start3A_606 = arith.constant 0 : i32
        %dma_start3A_607 = arith.constant 0 : i32
        %dma_start3A_608 = tpu.memref_slice %arg2[%dma_start3A_606, %dma_start3A_607] : memref<1000x128xf32, #tpu.memory_space<hbm>> -> memref<1000x128xf32, #tpu.memory_space<hbm>>
        tpu.enqueue_indirect_dma source(%dma_start3A_608 : memref<1000x128xf32, #tpu.memory_space<hbm>>) target(%dma_start3A_602 : memref<50x128xf32, #tpu.memory_space<vmem>>) offsets(%dma_start3A_605 : memref<50xi32, #tpu.memory_space<vmem>>) semaphore(%arg8 : memref<!tpu.dma_semaphore, #tpu.memory_space<semaphore_mem>>)
      } else {
      }
      %mul3A_422 = arith.constant 8 : i32
      %mul3A_423 = arith.muli %scan3A_103, %mul3A_422 : i32
      %add3A_424 = arith.constant 2 : i32
      %add3A_425 = arith.addi %mul3A_423, %add3A_424 : i32
      %add3A_426 = arith.addi %mul3A_2, %add3A_425 : i32
      %dma_wait3A_427 = arith.constant 2 : i32
      %dma_wait3A_428 = arith.constant 0 : i32
      %dma_wait3A_429 = arith.constant 0 : i32
      %dma_wait3A_430 = tpu.memref_slice %arg6[%dma_wait3A_427, %dma_wait3A_428, %dma_wait3A_429] : memref<8x50x128xf32, #tpu.memory_space<vmem>> -> memref<1x50x128xf32, #tpu.memory_space<vmem>>
      %dma_wait3A_431 = tpu.memref_squeeze %dma_wait3A_430 : memref<1x50x128xf32, #tpu.memory_space<vmem>> -> memref<50x128xf32, #tpu.memory_space<vmem>>
      %dma_wait3A_432 = arith.constant 0 : i32
      %dma_wait3A_433 = arith.constant 0 : i32
      %dma_wait3A_434 = tpu.memref_slice %arg4[%add3A_426, %dma_wait3A_432, %dma_wait3A_433] : memref<16384x50x128xf32, #tpu.memory_space<hbm>> -> memref<1x50x128xf32, #tpu.memory_space<hbm>>
      %dma_wait3A_435 = tpu.memref_squeeze %dma_wait3A_434 : memref<1x50x128xf32, #tpu.memory_space<hbm>> -> memref<50x128xf32, #tpu.memory_space<hbm>>
      %dma_wait3A_436 = arith.constant 0 : i32
      %dma_wait3A_437 = arith.constant 0 : i32
      %dma_wait3A_438 = tpu.memref_slice %arg4[%add3A_426, %dma_wait3A_436, %dma_wait3A_437] : memref<16384x50x128xf32, #tpu.memory_space<hbm>> -> memref<1x50x128xf32, #tpu.memory_space<hbm>>
      %dma_wait3A_439 = tpu.memref_squeeze %dma_wait3A_438 : memref<1x50x128xf32, #tpu.memory_space<hbm>> -> memref<50x128xf32, #tpu.memory_space<hbm>>
      %dma_wait3A_440 = arith.constant 0 : i32
      %dma_wait3A_441 = arith.constant 0 : i32
      %dma_wait3A_442 = tpu.memref_slice %arg6[%dma_wait3A_427, %dma_wait3A_440, %dma_wait3A_441] : memref<8x50x128xf32, #tpu.memory_space<vmem>> -> memref<1x50x128xf32, #tpu.memory_space<vmem>>
      %dma_wait3A_443 = tpu.memref_squeeze %dma_wait3A_442 : memref<1x50x128xf32, #tpu.memory_space<vmem>> -> memref<50x128xf32, #tpu.memory_space<vmem>>
      tpu.wait_dma2 semaphore(%arg17 : memref<!tpu.dma_semaphore, #tpu.memory_space<semaphore_mem>>) src(%dma_wait3A_443 : memref<50x128xf32, #tpu.memory_space<vmem>>) dst(%dma_wait3A_439 : memref<50x128xf32, #tpu.memory_space<hbm>>)
      %add3A_444 = arith.constant 1 : i32
      %add3A_445 = arith.addi %scan3A_103, %add3A_444 : i32
      %lt3A_446 = arith.constant 64 : i32
      %lt3A_447 = arith.cmpi slt, %add3A_445, %lt3A_446 : i32
      %convert_element_type3A_448 = arith.extui %lt3A_447 : i1 to i32
      %cond3A_449 = arith.constant 0 : i32
      %cond3A_450 = arith.cmpi ne, %convert_element_type3A_448, %cond3A_449 : i32
      scf.if %cond3A_450 {
        %add3A_596 = arith.constant 8 : i32
        %add3A_597 = arith.addi %add3A_425, %add3A_596 : i32
        %dma_start3A_598 = arith.constant 2 : i32
        %dma_start3A_599 = arith.constant 0 : i32
        %dma_start3A_600 = arith.constant 0 : i32
        %dma_start3A_601 = tpu.memref_slice %arg6[%dma_start3A_598, %dma_start3A_599, %dma_start3A_600] : memref<8x50x128xf32, #tpu.memory_space<vmem>> -> memref<1x50x128xf32, #tpu.memory_space<vmem>>
        %dma_start3A_602 = tpu.memref_squeeze %dma_start3A_601 : memref<1x50x128xf32, #tpu.memory_space<vmem>> -> memref<50x128xf32, #tpu.memory_space<vmem>>
        %dma_start3A_603 = arith.constant 0 : i32
        %dma_start3A_604 = tpu.memref_slice %arg5[%add3A_597, %dma_start3A_603] : memref<512x50xi32, #tpu.memory_space<vmem>> -> memref<1x50xi32, #tpu.memory_space<vmem>>
        %dma_start3A_605 = tpu.memref_squeeze %dma_start3A_604 : memref<1x50xi32, #tpu.memory_space<vmem>> -> memref<50xi32, #tpu.memory_space<vmem>>
        %dma_start3A_606 = arith.constant 0 : i32
        %dma_start3A_607 = arith.constant 0 : i32
        %dma_start3A_608 = tpu.memref_slice %arg2[%dma_start3A_606, %dma_start3A_607] : memref<1000x128xf32, #tpu.memory_space<hbm>> -> memref<1000x128xf32, #tpu.memory_space<hbm>>
        tpu.enqueue_indirect_dma source(%dma_start3A_608 : memref<1000x128xf32, #tpu.memory_space<hbm>>) target(%dma_start3A_602 : memref<50x128xf32, #tpu.memory_space<vmem>>) offsets(%dma_start3A_605 : memref<50xi32, #tpu.memory_space<vmem>>) semaphore(%arg9 : memref<!tpu.dma_semaphore, #tpu.memory_space<semaphore_mem>>)
      } else {
      }
      %mul3A_451 = arith.constant 8 : i32
      %mul3A_452 = arith.muli %scan3A_103, %mul3A_451 : i32
      %add3A_453 = arith.constant 3 : i32
      %add3A_454 = arith.addi %mul3A_452, %add3A_453 : i32
      %add3A_455 = arith.addi %mul3A_2, %add3A_454 : i32
      %dma_wait3A_456 = arith.constant 3 : i32
      %dma_wait3A_457 = arith.constant 0 : i32
      %dma_wait3A_458 = arith.constant 0 : i32
      %dma_wait3A_459 = tpu.memref_slice %arg6[%dma_wait3A_456, %dma_wait3A_457, %dma_wait3A_458] : memref<8x50x128xf32, #tpu.memory_space<vmem>> -> memref<1x50x128xf32, #tpu.memory_space<vmem>>
      %dma_wait3A_460 = tpu.memref_squeeze %dma_wait3A_459 : memref<1x50x128xf32, #tpu.memory_space<vmem>> -> memref<50x128xf32, #tpu.memory_space<vmem>>
      %dma_wait3A_461 = arith.constant 0 : i32
      %dma_wait3A_462 = arith.constant 0 : i32
      %dma_wait3A_463 = tpu.memref_slice %arg4[%add3A_455, %dma_wait3A_461, %dma_wait3A_462] : memref<16384x50x128xf32, #tpu.memory_space<hbm>> -> memref<1x50x128xf32, #tpu.memory_space<hbm>>
      %dma_wait3A_464 = tpu.memref_squeeze %dma_wait3A_463 : memref<1x50x128xf32, #tpu.memory_space<hbm>> -> memref<50x128xf32, #tpu.memory_space<hbm>>
      %dma_wait3A_465 = arith.constant 0 : i32
      %dma_wait3A_466 = arith.constant 0 : i32
      %dma_wait3A_467 = tpu.memref_slice %arg4[%add3A_455, %dma_wait3A_465, %dma_wait3A_466] : memref<16384x50x128xf32, #tpu.memory_space<hbm>> -> memref<1x50x128xf32, #tpu.memory_space<hbm>>
      %dma_wait3A_468 = tpu.memref_squeeze %dma_wait3A_467 : memref<1x50x128xf32, #tpu.memory_space<hbm>> -> memref<50x128xf32, #tpu.memory_space<hbm>>
      %dma_wait3A_469 = arith.constant 0 : i32
      %dma_wait3A_470 = arith.constant 0 : i32
      %dma_wait3A_471 = tpu.memref_slice %arg6[%dma_wait3A_456, %dma_wait3A_469, %dma_wait3A_470] : memref<8x50x128xf32, #tpu.memory_space<vmem>> -> memref<1x50x128xf32, #tpu.memory_space<vmem>>
      %dma_wait3A_472 = tpu.memref_squeeze %dma_wait3A_471 : memref<1x50x128xf32, #tpu.memory_space<vmem>> -> memref<50x128xf32, #tpu.memory_space<vmem>>
      tpu.wait_dma2 semaphore(%arg18 : memref<!tpu.dma_semaphore, #tpu.memory_space<semaphore_mem>>) src(%dma_wait3A_472 : memref<50x128xf32, #tpu.memory_space<vmem>>) dst(%dma_wait3A_468 : memref<50x128xf32, #tpu.memory_space<hbm>>)
      %add3A_473 = arith.constant 1 : i32
      %add3A_474 = arith.addi %scan3A_103, %add3A_473 : i32
      %lt3A_475 = arith.constant 64 : i32
      %lt3A_476 = arith.cmpi slt, %add3A_474, %lt3A_475 : i32
      %convert_element_type3A_477 = arith.extui %lt3A_476 : i1 to i32
      %cond3A_478 = arith.constant 0 : i32
      %cond3A_479 = arith.cmpi ne, %convert_element_type3A_477, %cond3A_478 : i32
      scf.if %cond3A_479 {
        %add3A_596 = arith.constant 8 : i32
        %add3A_597 = arith.addi %add3A_454, %add3A_596 : i32
        %dma_start3A_598 = arith.constant 3 : i32
        %dma_start3A_599 = arith.constant 0 : i32
        %dma_start3A_600 = arith.constant 0 : i32
        %dma_start3A_601 = tpu.memref_slice %arg6[%dma_start3A_598, %dma_start3A_599, %dma_start3A_600] : memref<8x50x128xf32, #tpu.memory_space<vmem>> -> memref<1x50x128xf32, #tpu.memory_space<vmem>>
        %dma_start3A_602 = tpu.memref_squeeze %dma_start3A_601 : memref<1x50x128xf32, #tpu.memory_space<vmem>> -> memref<50x128xf32, #tpu.memory_space<vmem>>
        %dma_start3A_603 = arith.constant 0 : i32
        %dma_start3A_604 = tpu.memref_slice %arg5[%add3A_597, %dma_start3A_603] : memref<512x50xi32, #tpu.memory_space<vmem>> -> memref<1x50xi32, #tpu.memory_space<vmem>>
        %dma_start3A_605 = tpu.memref_squeeze %dma_start3A_604 : memref<1x50xi32, #tpu.memory_space<vmem>> -> memref<50xi32, #tpu.memory_space<vmem>>
        %dma_start3A_606 = arith.constant 0 : i32
        %dma_start3A_607 = arith.constant 0 : i32
        %dma_start3A_608 = tpu.memref_slice %arg2[%dma_start3A_606, %dma_start3A_607] : memref<1000x128xf32, #tpu.memory_space<hbm>> -> memref<1000x128xf32, #tpu.memory_space<hbm>>
        tpu.enqueue_indirect_dma source(%dma_start3A_608 : memref<1000x128xf32, #tpu.memory_space<hbm>>) target(%dma_start3A_602 : memref<50x128xf32, #tpu.memory_space<vmem>>) offsets(%dma_start3A_605 : memref<50xi32, #tpu.memory_space<vmem>>) semaphore(%arg10 : memref<!tpu.dma_semaphore, #tpu.memory_space<semaphore_mem>>)
      } else {
      }
      %mul3A_480 = arith.constant 8 : i32
      %mul3A_481 = arith.muli %scan3A_103, %mul3A_480 : i32
      %add3A_482 = arith.constant 4 : i32
      %add3A_483 = arith.addi %mul3A_481, %add3A_482 : i32
      %add3A_484 = arith.addi %mul3A_2, %add3A_483 : i32
      %dma_wait3A_485 = arith.constant 4 : i32
      %dma_wait3A_486 = arith.constant 0 : i32
      %dma_wait3A_487 = arith.constant 0 : i32
      %dma_wait3A_488 = tpu.memref_slice %arg6[%dma_wait3A_485, %dma_wait3A_486, %dma_wait3A_487] : memref<8x50x128xf32, #tpu.memory_space<vmem>> -> memref<1x50x128xf32, #tpu.memory_space<vmem>>
      %dma_wait3A_489 = tpu.memref_squeeze %dma_wait3A_488 : memref<1x50x128xf32, #tpu.memory_space<vmem>> -> memref<50x128xf32, #tpu.memory_space<vmem>>
      %dma_wait3A_490 = arith.constant 0 : i32
      %dma_wait3A_491 = arith.constant 0 : i32
      %dma_wait3A_492 = tpu.memref_slice %arg4[%add3A_484, %dma_wait3A_490, %dma_wait3A_491] : memref<16384x50x128xf32, #tpu.memory_space<hbm>> -> memref<1x50x128xf32, #tpu.memory_space<hbm>>
      %dma_wait3A_493 = tpu.memref_squeeze %dma_wait3A_492 : memref<1x50x128xf32, #tpu.memory_space<hbm>> -> memref<50x128xf32, #tpu.memory_space<hbm>>
      %dma_wait3A_494 = arith.constant 0 : i32
      %dma_wait3A_495 = arith.constant 0 : i32
      %dma_wait3A_496 = tpu.memref_slice %arg4[%add3A_484, %dma_wait3A_494, %dma_wait3A_495] : memref<16384x50x128xf32, #tpu.memory_space<hbm>> -> memref<1x50x128xf32, #tpu.memory_space<hbm>>
      %dma_wait3A_497 = tpu.memref_squeeze %dma_wait3A_496 : memref<1x50x128xf32, #tpu.memory_space<hbm>> -> memref<50x128xf32, #tpu.memory_space<hbm>>
      %dma_wait3A_498 = arith.constant 0 : i32
      %dma_wait3A_499 = arith.constant 0 : i32
      %dma_wait3A_500 = tpu.memref_slice %arg6[%dma_wait3A_485, %dma_wait3A_498, %dma_wait3A_499] : memref<8x50x128xf32, #tpu.memory_space<vmem>> -> memref<1x50x128xf32, #tpu.memory_space<vmem>>
      %dma_wait3A_501 = tpu.memref_squeeze %dma_wait3A_500 : memref<1x50x128xf32, #tpu.memory_space<vmem>> -> memref<50x128xf32, #tpu.memory_space<vmem>>
      tpu.wait_dma2 semaphore(%arg19 : memref<!tpu.dma_semaphore, #tpu.memory_space<semaphore_mem>>) src(%dma_wait3A_501 : memref<50x128xf32, #tpu.memory_space<vmem>>) dst(%dma_wait3A_497 : memref<50x128xf32, #tpu.memory_space<hbm>>)
      %add3A_502 = arith.constant 1 : i32
      %add3A_503 = arith.addi %scan3A_103, %add3A_502 : i32
      %lt3A_504 = arith.constant 64 : i32
      %lt3A_505 = arith.cmpi slt, %add3A_503, %lt3A_504 : i32
      %convert_element_type3A_506 = arith.extui %lt3A_505 : i1 to i32
      %cond3A_507 = arith.constant 0 : i32
      %cond3A_508 = arith.cmpi ne, %convert_element_type3A_506, %cond3A_507 : i32
      scf.if %cond3A_508 {
        %add3A_596 = arith.constant 8 : i32
        %add3A_597 = arith.addi %add3A_483, %add3A_596 : i32
        %dma_start3A_598 = arith.constant 4 : i32
        %dma_start3A_599 = arith.constant 0 : i32
        %dma_start3A_600 = arith.constant 0 : i32
        %dma_start3A_601 = tpu.memref_slice %arg6[%dma_start3A_598, %dma_start3A_599, %dma_start3A_600] : memref<8x50x128xf32, #tpu.memory_space<vmem>> -> memref<1x50x128xf32, #tpu.memory_space<vmem>>
        %dma_start3A_602 = tpu.memref_squeeze %dma_start3A_601 : memref<1x50x128xf32, #tpu.memory_space<vmem>> -> memref<50x128xf32, #tpu.memory_space<vmem>>
        %dma_start3A_603 = arith.constant 0 : i32
        %dma_start3A_604 = tpu.memref_slice %arg5[%add3A_597, %dma_start3A_603] : memref<512x50xi32, #tpu.memory_space<vmem>> -> memref<1x50xi32, #tpu.memory_space<vmem>>
        %dma_start3A_605 = tpu.memref_squeeze %dma_start3A_604 : memref<1x50xi32, #tpu.memory_space<vmem>> -> memref<50xi32, #tpu.memory_space<vmem>>
        %dma_start3A_606 = arith.constant 0 : i32
        %dma_start3A_607 = arith.constant 0 : i32
        %dma_start3A_608 = tpu.memref_slice %arg2[%dma_start3A_606, %dma_start3A_607] : memref<1000x128xf32, #tpu.memory_space<hbm>> -> memref<1000x128xf32, #tpu.memory_space<hbm>>
        tpu.enqueue_indirect_dma source(%dma_start3A_608 : memref<1000x128xf32, #tpu.memory_space<hbm>>) target(%dma_start3A_602 : memref<50x128xf32, #tpu.memory_space<vmem>>) offsets(%dma_start3A_605 : memref<50xi32, #tpu.memory_space<vmem>>) semaphore(%arg11 : memref<!tpu.dma_semaphore, #tpu.memory_space<semaphore_mem>>)
      } else {
      }
      %mul3A_509 = arith.constant 8 : i32
      %mul3A_510 = arith.muli %scan3A_103, %mul3A_509 : i32
      %add3A_511 = arith.constant 5 : i32
      %add3A_512 = arith.addi %mul3A_510, %add3A_511 : i32
      %add3A_513 = arith.addi %mul3A_2, %add3A_512 : i32
      %dma_wait3A_514 = arith.constant 5 : i32
      %dma_wait3A_515 = arith.constant 0 : i32
      %dma_wait3A_516 = arith.constant 0 : i32
      %dma_wait3A_517 = tpu.memref_slice %arg6[%dma_wait3A_514, %dma_wait3A_515, %dma_wait3A_516] : memref<8x50x128xf32, #tpu.memory_space<vmem>> -> memref<1x50x128xf32, #tpu.memory_space<vmem>>
      %dma_wait3A_518 = tpu.memref_squeeze %dma_wait3A_517 : memref<1x50x128xf32, #tpu.memory_space<vmem>> -> memref<50x128xf32, #tpu.memory_space<vmem>>
      %dma_wait3A_519 = arith.constant 0 : i32
      %dma_wait3A_520 = arith.constant 0 : i32
      %dma_wait3A_521 = tpu.memref_slice %arg4[%add3A_513, %dma_wait3A_519, %dma_wait3A_520] : memref<16384x50x128xf32, #tpu.memory_space<hbm>> -> memref<1x50x128xf32, #tpu.memory_space<hbm>>
      %dma_wait3A_522 = tpu.memref_squeeze %dma_wait3A_521 : memref<1x50x128xf32, #tpu.memory_space<hbm>> -> memref<50x128xf32, #tpu.memory_space<hbm>>
      %dma_wait3A_523 = arith.constant 0 : i32
      %dma_wait3A_524 = arith.constant 0 : i32
      %dma_wait3A_525 = tpu.memref_slice %arg4[%add3A_513, %dma_wait3A_523, %dma_wait3A_524] : memref<16384x50x128xf32, #tpu.memory_space<hbm>> -> memref<1x50x128xf32, #tpu.memory_space<hbm>>
      %dma_wait3A_526 = tpu.memref_squeeze %dma_wait3A_525 : memref<1x50x128xf32, #tpu.memory_space<hbm>> -> memref<50x128xf32, #tpu.memory_space<hbm>>
      %dma_wait3A_527 = arith.constant 0 : i32
      %dma_wait3A_528 = arith.constant 0 : i32
      %dma_wait3A_529 = tpu.memref_slice %arg6[%dma_wait3A_514, %dma_wait3A_527, %dma_wait3A_528] : memref<8x50x128xf32, #tpu.memory_space<vmem>> -> memref<1x50x128xf32, #tpu.memory_space<vmem>>
      %dma_wait3A_530 = tpu.memref_squeeze %dma_wait3A_529 : memref<1x50x128xf32, #tpu.memory_space<vmem>> -> memref<50x128xf32, #tpu.memory_space<vmem>>
      tpu.wait_dma2 semaphore(%arg20 : memref<!tpu.dma_semaphore, #tpu.memory_space<semaphore_mem>>) src(%dma_wait3A_530 : memref<50x128xf32, #tpu.memory_space<vmem>>) dst(%dma_wait3A_526 : memref<50x128xf32, #tpu.memory_space<hbm>>)
      %add3A_531 = arith.constant 1 : i32
      %add3A_532 = arith.addi %scan3A_103, %add3A_531 : i32
      %lt3A_533 = arith.constant 64 : i32
      %lt3A_534 = arith.cmpi slt, %add3A_532, %lt3A_533 : i32
      %convert_element_type3A_535 = arith.extui %lt3A_534 : i1 to i32
      %cond3A_536 = arith.constant 0 : i32
      %cond3A_537 = arith.cmpi ne, %convert_element_type3A_535, %cond3A_536 : i32
      scf.if %cond3A_537 {
        %add3A_596 = arith.constant 8 : i32
        %add3A_597 = arith.addi %add3A_512, %add3A_596 : i32
        %dma_start3A_598 = arith.constant 5 : i32
        %dma_start3A_599 = arith.constant 0 : i32
        %dma_start3A_600 = arith.constant 0 : i32
        %dma_start3A_601 = tpu.memref_slice %arg6[%dma_start3A_598, %dma_start3A_599, %dma_start3A_600] : memref<8x50x128xf32, #tpu.memory_space<vmem>> -> memref<1x50x128xf32, #tpu.memory_space<vmem>>
        %dma_start3A_602 = tpu.memref_squeeze %dma_start3A_601 : memref<1x50x128xf32, #tpu.memory_space<vmem>> -> memref<50x128xf32, #tpu.memory_space<vmem>>
        %dma_start3A_603 = arith.constant 0 : i32
        %dma_start3A_604 = tpu.memref_slice %arg5[%add3A_597, %dma_start3A_603] : memref<512x50xi32, #tpu.memory_space<vmem>> -> memref<1x50xi32, #tpu.memory_space<vmem>>
        %dma_start3A_605 = tpu.memref_squeeze %dma_start3A_604 : memref<1x50xi32, #tpu.memory_space<vmem>> -> memref<50xi32, #tpu.memory_space<vmem>>
        %dma_start3A_606 = arith.constant 0 : i32
        %dma_start3A_607 = arith.constant 0 : i32
        %dma_start3A_608 = tpu.memref_slice %arg2[%dma_start3A_606, %dma_start3A_607] : memref<1000x128xf32, #tpu.memory_space<hbm>> -> memref<1000x128xf32, #tpu.memory_space<hbm>>
        tpu.enqueue_indirect_dma source(%dma_start3A_608 : memref<1000x128xf32, #tpu.memory_space<hbm>>) target(%dma_start3A_602 : memref<50x128xf32, #tpu.memory_space<vmem>>) offsets(%dma_start3A_605 : memref<50xi32, #tpu.memory_space<vmem>>) semaphore(%arg12 : memref<!tpu.dma_semaphore, #tpu.memory_space<semaphore_mem>>)
      } else {
      }
      %mul3A_538 = arith.constant 8 : i32
      %mul3A_539 = arith.muli %scan3A_103, %mul3A_538 : i32
      %add3A_540 = arith.constant 6 : i32
      %add3A_541 = arith.addi %mul3A_539, %add3A_540 : i32
      %add3A_542 = arith.addi %mul3A_2, %add3A_541 : i32
      %dma_wait3A_543 = arith.constant 6 : i32
      %dma_wait3A_544 = arith.constant 0 : i32
      %dma_wait3A_545 = arith.constant 0 : i32
      %dma_wait3A_546 = tpu.memref_slice %arg6[%dma_wait3A_543, %dma_wait3A_544, %dma_wait3A_545] : memref<8x50x128xf32, #tpu.memory_space<vmem>> -> memref<1x50x128xf32, #tpu.memory_space<vmem>>
      %dma_wait3A_547 = tpu.memref_squeeze %dma_wait3A_546 : memref<1x50x128xf32, #tpu.memory_space<vmem>> -> memref<50x128xf32, #tpu.memory_space<vmem>>
      %dma_wait3A_548 = arith.constant 0 : i32
      %dma_wait3A_549 = arith.constant 0 : i32
      %dma_wait3A_550 = tpu.memref_slice %arg4[%add3A_542, %dma_wait3A_548, %dma_wait3A_549] : memref<16384x50x128xf32, #tpu.memory_space<hbm>> -> memref<1x50x128xf32, #tpu.memory_space<hbm>>
      %dma_wait3A_551 = tpu.memref_squeeze %dma_wait3A_550 : memref<1x50x128xf32, #tpu.memory_space<hbm>> -> memref<50x128xf32, #tpu.memory_space<hbm>>
      %dma_wait3A_552 = arith.constant 0 : i32
      %dma_wait3A_553 = arith.constant 0 : i32
      %dma_wait3A_554 = tpu.memref_slice %arg4[%add3A_542, %dma_wait3A_552, %dma_wait3A_553] : memref<16384x50x128xf32, #tpu.memory_space<hbm>> -> memref<1x50x128xf32, #tpu.memory_space<hbm>>
      %dma_wait3A_555 = tpu.memref_squeeze %dma_wait3A_554 : memref<1x50x128xf32, #tpu.memory_space<hbm>> -> memref<50x128xf32, #tpu.memory_space<hbm>>
      %dma_wait3A_556 = arith.constant 0 : i32
      %dma_wait3A_557 = arith.constant 0 : i32
      %dma_wait3A_558 = tpu.memref_slice %arg6[%dma_wait3A_543, %dma_wait3A_556, %dma_wait3A_557] : memref<8x50x128xf32, #tpu.memory_space<vmem>> -> memref<1x50x128xf32, #tpu.memory_space<vmem>>
      %dma_wait3A_559 = tpu.memref_squeeze %dma_wait3A_558 : memref<1x50x128xf32, #tpu.memory_space<vmem>> -> memref<50x128xf32, #tpu.memory_space<vmem>>
      tpu.wait_dma2 semaphore(%arg21 : memref<!tpu.dma_semaphore, #tpu.memory_space<semaphore_mem>>) src(%dma_wait3A_559 : memref<50x128xf32, #tpu.memory_space<vmem>>) dst(%dma_wait3A_555 : memref<50x128xf32, #tpu.memory_space<hbm>>)
      %add3A_560 = arith.constant 1 : i32
      %add3A_561 = arith.addi %scan3A_103, %add3A_560 : i32
      %lt3A_562 = arith.constant 64 : i32
      %lt3A_563 = arith.cmpi slt, %add3A_561, %lt3A_562 : i32
      %convert_element_type3A_564 = arith.extui %lt3A_563 : i1 to i32
      %cond3A_565 = arith.constant 0 : i32
      %cond3A_566 = arith.cmpi ne, %convert_element_type3A_564, %cond3A_565 : i32
      scf.if %cond3A_566 {
        %add3A_596 = arith.constant 8 : i32
        %add3A_597 = arith.addi %add3A_541, %add3A_596 : i32
        %dma_start3A_598 = arith.constant 6 : i32
        %dma_start3A_599 = arith.constant 0 : i32
        %dma_start3A_600 = arith.constant 0 : i32
        %dma_start3A_601 = tpu.memref_slice %arg6[%dma_start3A_598, %dma_start3A_599, %dma_start3A_600] : memref<8x50x128xf32, #tpu.memory_space<vmem>> -> memref<1x50x128xf32, #tpu.memory_space<vmem>>
        %dma_start3A_602 = tpu.memref_squeeze %dma_start3A_601 : memref<1x50x128xf32, #tpu.memory_space<vmem>> -> memref<50x128xf32, #tpu.memory_space<vmem>>
        %dma_start3A_603 = arith.constant 0 : i32
        %dma_start3A_604 = tpu.memref_slice %arg5[%add3A_597, %dma_start3A_603] : memref<512x50xi32, #tpu.memory_space<vmem>> -> memref<1x50xi32, #tpu.memory_space<vmem>>
        %dma_start3A_605 = tpu.memref_squeeze %dma_start3A_604 : memref<1x50xi32, #tpu.memory_space<vmem>> -> memref<50xi32, #tpu.memory_space<vmem>>
        %dma_start3A_606 = arith.constant 0 : i32
        %dma_start3A_607 = arith.constant 0 : i32
        %dma_start3A_608 = tpu.memref_slice %arg2[%dma_start3A_606, %dma_start3A_607] : memref<1000x128xf32, #tpu.memory_space<hbm>> -> memref<1000x128xf32, #tpu.memory_space<hbm>>
        tpu.enqueue_indirect_dma source(%dma_start3A_608 : memref<1000x128xf32, #tpu.memory_space<hbm>>) target(%dma_start3A_602 : memref<50x128xf32, #tpu.memory_space<vmem>>) offsets(%dma_start3A_605 : memref<50xi32, #tpu.memory_space<vmem>>) semaphore(%arg13 : memref<!tpu.dma_semaphore, #tpu.memory_space<semaphore_mem>>)
      } else {
      }
      %mul3A_567 = arith.constant 8 : i32
      %mul3A_568 = arith.muli %scan3A_103, %mul3A_567 : i32
      %add3A_569 = arith.constant 7 : i32
      %add3A_570 = arith.addi %mul3A_568, %add3A_569 : i32
      %add3A_571 = arith.addi %mul3A_2, %add3A_570 : i32
      %dma_wait3A_572 = arith.constant 7 : i32
      %dma_wait3A_573 = arith.constant 0 : i32
      %dma_wait3A_574 = arith.constant 0 : i32
      %dma_wait3A_575 = tpu.memref_slice %arg6[%dma_wait3A_572, %dma_wait3A_573, %dma_wait3A_574] : memref<8x50x128xf32, #tpu.memory_space<vmem>> -> memref<1x50x128xf32, #tpu.memory_space<vmem>>
      %dma_wait3A_576 = tpu.memref_squeeze %dma_wait3A_575 : memref<1x50x128xf32, #tpu.memory_space<vmem>> -> memref<50x128xf32, #tpu.memory_space<vmem>>
      %dma_wait3A_577 = arith.constant 0 : i32
      %dma_wait3A_578 = arith.constant 0 : i32
      %dma_wait3A_579 = tpu.memref_slice %arg4[%add3A_571, %dma_wait3A_577, %dma_wait3A_578] : memref<16384x50x128xf32, #tpu.memory_space<hbm>> -> memref<1x50x128xf32, #tpu.memory_space<hbm>>
      %dma_wait3A_580 = tpu.memref_squeeze %dma_wait3A_579 : memref<1x50x128xf32, #tpu.memory_space<hbm>> -> memref<50x128xf32, #tpu.memory_space<hbm>>
      %dma_wait3A_581 = arith.constant 0 : i32
      %dma_wait3A_582 = arith.constant 0 : i32
      %dma_wait3A_583 = tpu.memref_slice %arg4[%add3A_571, %dma_wait3A_581, %dma_wait3A_582] : memref<16384x50x128xf32, #tpu.memory_space<hbm>> -> memref<1x50x128xf32, #tpu.memory_space<hbm>>
      %dma_wait3A_584 = tpu.memref_squeeze %dma_wait3A_583 : memref<1x50x128xf32, #tpu.memory_space<hbm>> -> memref<50x128xf32, #tpu.memory_space<hbm>>
      %dma_wait3A_585 = arith.constant 0 : i32
      %dma_wait3A_586 = arith.constant 0 : i32
      %dma_wait3A_587 = tpu.memref_slice %arg6[%dma_wait3A_572, %dma_wait3A_585, %dma_wait3A_586] : memref<8x50x128xf32, #tpu.memory_space<vmem>> -> memref<1x50x128xf32, #tpu.memory_space<vmem>>
      %dma_wait3A_588 = tpu.memref_squeeze %dma_wait3A_587 : memref<1x50x128xf32, #tpu.memory_space<vmem>> -> memref<50x128xf32, #tpu.memory_space<vmem>>
      tpu.wait_dma2 semaphore(%arg22 : memref<!tpu.dma_semaphore, #tpu.memory_space<semaphore_mem>>) src(%dma_wait3A_588 : memref<50x128xf32, #tpu.memory_space<vmem>>) dst(%dma_wait3A_584 : memref<50x128xf32, #tpu.memory_space<hbm>>)
      %add3A_589 = arith.constant 1 : i32
      %add3A_590 = arith.addi %scan3A_103, %add3A_589 : i32
      %lt3A_591 = arith.constant 64 : i32
      %lt3A_592 = arith.cmpi slt, %add3A_590, %lt3A_591 : i32
      %convert_element_type3A_593 = arith.extui %lt3A_592 : i1 to i32
      %cond3A_594 = arith.constant 0 : i32
      %cond3A_595 = arith.cmpi ne, %convert_element_type3A_593, %cond3A_594 : i32
      scf.if %cond3A_595 {
        %add3A_596 = arith.constant 8 : i32
        %add3A_597 = arith.addi %add3A_570, %add3A_596 : i32
        %dma_start3A_598 = arith.constant 7 : i32
        %dma_start3A_599 = arith.constant 0 : i32
        %dma_start3A_600 = arith.constant 0 : i32
        %dma_start3A_601 = tpu.memref_slice %arg6[%dma_start3A_598, %dma_start3A_599, %dma_start3A_600] : memref<8x50x128xf32, #tpu.memory_space<vmem>> -> memref<1x50x128xf32, #tpu.memory_space<vmem>>
        %dma_start3A_602 = tpu.memref_squeeze %dma_start3A_601 : memref<1x50x128xf32, #tpu.memory_space<vmem>> -> memref<50x128xf32, #tpu.memory_space<vmem>>
        %dma_start3A_603 = arith.constant 0 : i32
        %dma_start3A_604 = tpu.memref_slice %arg5[%add3A_597, %dma_start3A_603] : memref<512x50xi32, #tpu.memory_space<vmem>> -> memref<1x50xi32, #tpu.memory_space<vmem>>
        %dma_start3A_605 = tpu.memref_squeeze %dma_start3A_604 : memref<1x50xi32, #tpu.memory_space<vmem>> -> memref<50xi32, #tpu.memory_space<vmem>>
        %dma_start3A_606 = arith.constant 0 : i32
        %dma_start3A_607 = arith.constant 0 : i32
        %dma_start3A_608 = tpu.memref_slice %arg2[%dma_start3A_606, %dma_start3A_607] : memref<1000x128xf32, #tpu.memory_space<hbm>> -> memref<1000x128xf32, #tpu.memory_space<hbm>>
        tpu.enqueue_indirect_dma source(%dma_start3A_608 : memref<1000x128xf32, #tpu.memory_space<hbm>>) target(%dma_start3A_602 : memref<50x128xf32, #tpu.memory_space<vmem>>) offsets(%dma_start3A_605 : memref<50xi32, #tpu.memory_space<vmem>>) semaphore(%arg14 : memref<!tpu.dma_semaphore, #tpu.memory_space<semaphore_mem>>)
      } else {
      }
    }
    %scan3A_102 = arith.constant 64 : i32
    return
  }
}

module attributes {stable_mosaic.version = 14 : i64} {
  func.func @_mask_body(%arg0: i32, %arg1: memref<1024x44xi32, #tpu.memory_space<vmem>>, %arg2: memref<1024x44xi32, #tpu.memory_space<vmem>>) attributes {dimension_semantics = [#tpu.dimension_semantics<arbitrary>], iteration_bounds = array<i64: 16>, scalar_prefetch = 0 : i64, scratch_operands = 0 : i64, tpu.core_type = #tpu.core_type<tc>, window_params = [{transform_indices = @transform_0, window_bounds = array<i64: 1024, 44>}, {transform_indices = @transform_1, window_bounds = array<i64: 1024, 44>}]} {
    %get3A = arith.constant 0 : index
    %get3A_0 = arith.constant 0 : index
    %get3A_1 = vector.load %arg1[%get3A, %get3A_0] : memref<1024x44xi32, #tpu.memory_space<vmem>>, vector<1024x44xi32>
    %ne3A = arith.constant 0 : i32
    %ne3A_2 = vector.broadcast %ne3A : i32 to vector<1024x44xi32>
    %ne3A_3 = arith.cmpi ne, %get3A_1, %ne3A_2 : vector<1024x44xi32>
    %convert_element_type3A = arith.extui %ne3A_3 : vector<1024x44xi1> to vector<1024x44xi32>
    %swap3A = arith.constant 0 : index
    %swap3A_4 = arith.constant 0 : index
    %swap3A_5 = vector.load %arg2[%swap3A, %swap3A_4] : memref<1024x44xi32, #tpu.memory_space<vmem>>, vector<1024x44xi32>
    tpu.vector_store %arg2[%swap3A, %swap3A_4], %convert_element_type3A {strides = array<i32>} : memref<1024x44xi32, #tpu.memory_space<vmem>>, vector<1024x44xi32>,
    return
  }
  func.func @transform_0(%arg0: i32) -> (i32, i32) {
    %c0_i32 = arith.constant 0 : i32
    %c0_i32_0 = arith.constant 0 : i32
    return %arg0, %c0_i32 : i32, i32
  }
  func.func @transform_1(%arg0: i32) -> (i32, i32) {
    %c0_i32 = arith.constant 0 : i32
    %c0_i32_0 = arith.constant 0 : i32
    return %arg0, %c0_i32 : i32, i32
  }
}

module attributes {stable_mosaic.version = 14 : i64} {
  func.func @_mhc_tc_body(%arg0: i32, %arg1: memref<256x34xi32, #tpu.memory_space<vmem>>, %arg2: memref<1000x128xf32, #tpu.memory_space<vmem>>, %arg3: memref<256x34x128xf32, #tpu.memory_space<vmem>>) attributes {dimension_semantics = [#tpu.dimension_semantics<arbitrary>], iteration_bounds = array<i64: 64>, scalar_prefetch = 0 : i64, scratch_operands = 0 : i64, tpu.core_type = #tpu.core_type<tc>, window_params = [{transform_indices = @transform_0, window_bounds = array<i64: 256, 34>}, {pipeline_mode = #tpu.pipeline_mode<synchronous>, transform_indices = @transform_1, window_bounds = array<i64: 1000, 128>}, {transform_indices = @transform_2, window_bounds = array<i64: 256, 34, 128>}]} {
    %get3A = arith.constant 0 : index
    %get3A_0 = arith.constant 0 : index
    %get3A_1 = vector.load %arg2[%get3A, %get3A_0] : memref<1000x128xf32, #tpu.memory_space<vmem>>, vector<1000x128xf32>
    %convert_element_type3A = arith.truncf %get3A_1 : vector<1000x128xf32> to vector<1000x128xbf16>
    %iota3A = tpu.iota {dimensions = array<i32: 1>} : vector<256x1000xi32>
    %get3A_2 = arith.constant 0 : index
    %get3A_3 = arith.constant 0 : index
    %get3A_4 = vector.load %arg1[%get3A_2, %get3A_3] : memref<256x34xi32, #tpu.memory_space<vmem>>, vector<256x1xi32>
    %eq3A = vector.broadcast %get3A_4 : vector<256x1xi32> to vector<256x1000xi32>
    %eq3A_5 = arith.cmpi eq, %eq3A, %iota3A : vector<256x1000xi32>
    %convert_element_type3A_6 = arith.extui %eq3A_5 : vector<256x1000xi1> to vector<256x1000xi32>
    %convert_element_type3A_7 = arith.sitofp %convert_element_type3A_6 : vector<256x1000xi32> to vector<256x1000xf32>
    %convert_element_type3A_8 = arith.truncf %convert_element_type3A_7 : vector<256x1000xf32> to vector<256x1000xbf16>
    %dot_general3A = arith.constant dense<0.000000e+00> : vector<256x128xf32>
    %dot_general3A_9 = tpu.matmul %convert_element_type3A_8, %convert_element_type3A, %dot_general3A {dimension_numbers = #tpu.dot_dimension_numbers<[1], [0], [0], [1], [0, 0, 1, 1], [], []>, transpose_lhs_hint = false} : vector<256x1000xbf16>, vector<1000x128xbf16>, vector<256x128xf32> -> vector<256x128xf32>
    %broadcast_in_dim3A = vector.shape_cast %dot_general3A_9 : vector<256x128xf32> to vector<256x1x128xf32>
    %swap3A = arith.constant 0 : index
    %swap3A_10 = arith.constant 0 : index
    %swap3A_11 = arith.constant 0 : index
    %swap3A_12 = vector.load %arg3[%swap3A, %swap3A_10, %swap3A_11] : memref<256x34x128xf32, #tpu.memory_space<vmem>>, vector<256x1x128xf32>
    tpu.vector_store %arg3[%swap3A, %swap3A_10, %swap3A_11], %broadcast_in_dim3A {strides = array<i32>} : memref<256x34x128xf32, #tpu.memory_space<vmem>>, vector<256x1x128xf32>,
    %get3A_13 = arith.constant 0 : index
    %get3A_14 = arith.constant 1 : index
    %get3A_15 = vector.load %arg1[%get3A_13, %get3A_14] : memref<256x34xi32, #tpu.memory_space<vmem>>, vector<256x1xi32>
    %eq3A_16 = vector.broadcast %get3A_15 : vector<256x1xi32> to vector<256x1000xi32>
    %eq3A_17 = arith.cmpi eq, %eq3A_16, %iota3A : vector<256x1000xi32>
    %convert_element_type3A_18 = arith.extui %eq3A_17 : vector<256x1000xi1> to vector<256x1000xi32>
    %convert_element_type3A_19 = arith.sitofp %convert_element_type3A_18 : vector<256x1000xi32> to vector<256x1000xf32>
    %convert_element_type3A_20 = arith.truncf %convert_element_type3A_19 : vector<256x1000xf32> to vector<256x1000xbf16>
    %dot_general3A_21 = arith.constant dense<0.000000e+00> : vector<256x128xf32>
    %dot_general3A_22 = tpu.matmul %convert_element_type3A_20, %convert_element_type3A, %dot_general3A_21 {dimension_numbers = #tpu.dot_dimension_numbers<[1], [0], [0], [1], [0, 0, 1, 1], [], []>, transpose_lhs_hint = false} : vector<256x1000xbf16>, vector<1000x128xbf16>, vector<256x128xf32> -> vector<256x128xf32>
    %broadcast_in_dim3A_23 = vector.shape_cast %dot_general3A_22 : vector<256x128xf32> to vector<256x1x128xf32>
    %swap3A_24 = arith.constant 0 : index
    %swap3A_25 = arith.constant 1 : index
    %swap3A_26 = arith.constant 0 : index
    %swap3A_27 = vector.load %arg3[%swap3A_24, %swap3A_25, %swap3A_26] : memref<256x34x128xf32, #tpu.memory_space<vmem>>, vector<256x1x128xf32>
    tpu.vector_store %arg3[%swap3A_24, %swap3A_25, %swap3A_26], %broadcast_in_dim3A_23 {strides = array<i32>} : memref<256x34x128xf32, #tpu.memory_space<vmem>>, vector<256x1x128xf32>,
    %get3A_28 = arith.constant 0 : index
    %get3A_29 = arith.constant 2 : index
    %get3A_30 = vector.load %arg1[%get3A_28, %get3A_29] : memref<256x34xi32, #tpu.memory_space<vmem>>, vector<256x1xi32>
    %eq3A_31 = vector.broadcast %get3A_30 : vector<256x1xi32> to vector<256x1000xi32>
    %eq3A_32 = arith.cmpi eq, %eq3A_31, %iota3A : vector<256x1000xi32>
    %convert_element_type3A_33 = arith.extui %eq3A_32 : vector<256x1000xi1> to vector<256x1000xi32>
    %convert_element_type3A_34 = arith.sitofp %convert_element_type3A_33 : vector<256x1000xi32> to vector<256x1000xf32>
    %convert_element_type3A_35 = arith.truncf %convert_element_type3A_34 : vector<256x1000xf32> to vector<256x1000xbf16>
    %dot_general3A_36 = arith.constant dense<0.000000e+00> : vector<256x128xf32>
    %dot_general3A_37 = tpu.matmul %convert_element_type3A_35, %convert_element_type3A, %dot_general3A_36 {dimension_numbers = #tpu.dot_dimension_numbers<[1], [0], [0], [1], [0, 0, 1, 1], [], []>, transpose_lhs_hint = false} : vector<256x1000xbf16>, vector<1000x128xbf16>, vector<256x128xf32> -> vector<256x128xf32>
    %broadcast_in_dim3A_38 = vector.shape_cast %dot_general3A_37 : vector<256x128xf32> to vector<256x1x128xf32>
    %swap3A_39 = arith.constant 0 : index
    %swap3A_40 = arith.constant 2 : index
    %swap3A_41 = arith.constant 0 : index
    %swap3A_42 = vector.load %arg3[%swap3A_39, %swap3A_40, %swap3A_41] : memref<256x34x128xf32, #tpu.memory_space<vmem>>, vector<256x1x128xf32>
    tpu.vector_store %arg3[%swap3A_39, %swap3A_40, %swap3A_41], %broadcast_in_dim3A_38 {strides = array<i32>} : memref<256x34x128xf32, #tpu.memory_space<vmem>>, vector<256x1x128xf32>,
    %get3A_43 = arith.constant 0 : index
    %get3A_44 = arith.constant 3 : index
    %get3A_45 = vector.load %arg1[%get3A_43, %get3A_44] : memref<256x34xi32, #tpu.memory_space<vmem>>, vector<256x1xi32>
    %eq3A_46 = vector.broadcast %get3A_45 : vector<256x1xi32> to vector<256x1000xi32>
    %eq3A_47 = arith.cmpi eq, %eq3A_46, %iota3A : vector<256x1000xi32>
    %convert_element_type3A_48 = arith.extui %eq3A_47 : vector<256x1000xi1> to vector<256x1000xi32>
    %convert_element_type3A_49 = arith.sitofp %convert_element_type3A_48 : vector<256x1000xi32> to vector<256x1000xf32>
    %convert_element_type3A_50 = arith.truncf %convert_element_type3A_49 : vector<256x1000xf32> to vector<256x1000xbf16>
    %dot_general3A_51 = arith.constant dense<0.000000e+00> : vector<256x128xf32>
    %dot_general3A_52 = tpu.matmul %convert_element_type3A_50, %convert_element_type3A, %dot_general3A_51 {dimension_numbers = #tpu.dot_dimension_numbers<[1], [0], [0], [1], [0, 0, 1, 1], [], []>, transpose_lhs_hint = false} : vector<256x1000xbf16>, vector<1000x128xbf16>, vector<256x128xf32> -> vector<256x128xf32>
    %broadcast_in_dim3A_53 = vector.shape_cast %dot_general3A_52 : vector<256x128xf32> to vector<256x1x128xf32>
    %swap3A_54 = arith.constant 0 : index
    %swap3A_55 = arith.constant 3 : index
    %swap3A_56 = arith.constant 0 : index
    %swap3A_57 = vector.load %arg3[%swap3A_54, %swap3A_55, %swap3A_56] : memref<256x34x128xf32, #tpu.memory_space<vmem>>, vector<256x1x128xf32>
    tpu.vector_store %arg3[%swap3A_54, %swap3A_55, %swap3A_56], %broadcast_in_dim3A_53 {strides = array<i32>} : memref<256x34x128xf32, #tpu.memory_space<vmem>>, vector<256x1x128xf32>,
    %get3A_58 = arith.constant 0 : index
    %get3A_59 = arith.constant 4 : index
    %get3A_60 = vector.load %arg1[%get3A_58, %get3A_59] : memref<256x34xi32, #tpu.memory_space<vmem>>, vector<256x1xi32>
    %eq3A_61 = vector.broadcast %get3A_60 : vector<256x1xi32> to vector<256x1000xi32>
    %eq3A_62 = arith.cmpi eq, %eq3A_61, %iota3A : vector<256x1000xi32>
    %convert_element_type3A_63 = arith.extui %eq3A_62 : vector<256x1000xi1> to vector<256x1000xi32>
    %convert_element_type3A_64 = arith.sitofp %convert_element_type3A_63 : vector<256x1000xi32> to vector<256x1000xf32>
    %convert_element_type3A_65 = arith.truncf %convert_element_type3A_64 : vector<256x1000xf32> to vector<256x1000xbf16>
    %dot_general3A_66 = arith.constant dense<0.000000e+00> : vector<256x128xf32>
    %dot_general3A_67 = tpu.matmul %convert_element_type3A_65, %convert_element_type3A, %dot_general3A_66 {dimension_numbers = #tpu.dot_dimension_numbers<[1], [0], [0], [1], [0, 0, 1, 1], [], []>, transpose_lhs_hint = false} : vector<256x1000xbf16>, vector<1000x128xbf16>, vector<256x128xf32> -> vector<256x128xf32>
    %broadcast_in_dim3A_68 = vector.shape_cast %dot_general3A_67 : vector<256x128xf32> to vector<256x1x128xf32>
    %swap3A_69 = arith.constant 0 : index
    %swap3A_70 = arith.constant 4 : index
    %swap3A_71 = arith.constant 0 : index
    %swap3A_72 = vector.load %arg3[%swap3A_69, %swap3A_70, %swap3A_71] : memref<256x34x128xf32, #tpu.memory_space<vmem>>, vector<256x1x128xf32>
    tpu.vector_store %arg3[%swap3A_69, %swap3A_70, %swap3A_71], %broadcast_in_dim3A_68 {strides = array<i32>} : memref<256x34x128xf32, #tpu.memory_space<vmem>>, vector<256x1x128xf32>,
    %get3A_73 = arith.constant 0 : index
    %get3A_74 = arith.constant 5 : index
    %get3A_75 = vector.load %arg1[%get3A_73, %get3A_74] : memref<256x34xi32, #tpu.memory_space<vmem>>, vector<256x1xi32>
    %eq3A_76 = vector.broadcast %get3A_75 : vector<256x1xi32> to vector<256x1000xi32>
    %eq3A_77 = arith.cmpi eq, %eq3A_76, %iota3A : vector<256x1000xi32>
    %convert_element_type3A_78 = arith.extui %eq3A_77 : vector<256x1000xi1> to vector<256x1000xi32>
    %convert_element_type3A_79 = arith.sitofp %convert_element_type3A_78 : vector<256x1000xi32> to vector<256x1000xf32>
    %convert_element_type3A_80 = arith.truncf %convert_element_type3A_79 : vector<256x1000xf32> to vector<256x1000xbf16>
    %dot_general3A_81 = arith.constant dense<0.000000e+00> : vector<256x128xf32>
    %dot_general3A_82 = tpu.matmul %convert_element_type3A_80, %convert_element_type3A, %dot_general3A_81 {dimension_numbers = #tpu.dot_dimension_numbers<[1], [0], [0], [1], [0, 0, 1, 1], [], []>, transpose_lhs_hint = false} : vector<256x1000xbf16>, vector<1000x128xbf16>, vector<256x128xf32> -> vector<256x128xf32>
    %broadcast_in_dim3A_83 = vector.shape_cast %dot_general3A_82 : vector<256x128xf32> to vector<256x1x128xf32>
    %swap3A_84 = arith.constant 0 : index
    %swap3A_85 = arith.constant 5 : index
    %swap3A_86 = arith.constant 0 : index
    %swap3A_87 = vector.load %arg3[%swap3A_84, %swap3A_85, %swap3A_86] : memref<256x34x128xf32, #tpu.memory_space<vmem>>, vector<256x1x128xf32>
    tpu.vector_store %arg3[%swap3A_84, %swap3A_85, %swap3A_86], %broadcast_in_dim3A_83 {strides = array<i32>} : memref<256x34x128xf32, #tpu.memory_space<vmem>>, vector<256x1x128xf32>,
    %get3A_88 = arith.constant 0 : index
    %get3A_89 = arith.constant 6 : index
    %get3A_90 = vector.load %arg1[%get3A_88, %get3A_89] : memref<256x34xi32, #tpu.memory_space<vmem>>, vector<256x1xi32>
    %eq3A_91 = vector.broadcast %get3A_90 : vector<256x1xi32> to vector<256x1000xi32>
    %eq3A_92 = arith.cmpi eq, %eq3A_91, %iota3A : vector<256x1000xi32>
    %convert_element_type3A_93 = arith.extui %eq3A_92 : vector<256x1000xi1> to vector<256x1000xi32>
    %convert_element_type3A_94 = arith.sitofp %convert_element_type3A_93 : vector<256x1000xi32> to vector<256x1000xf32>
    %convert_element_type3A_95 = arith.truncf %convert_element_type3A_94 : vector<256x1000xf32> to vector<256x1000xbf16>
    %dot_general3A_96 = arith.constant dense<0.000000e+00> : vector<256x128xf32>
    %dot_general3A_97 = tpu.matmul %convert_element_type3A_95, %convert_element_type3A, %dot_general3A_96 {dimension_numbers = #tpu.dot_dimension_numbers<[1], [0], [0], [1], [0, 0, 1, 1], [], []>, transpose_lhs_hint = false} : vector<256x1000xbf16>, vector<1000x128xbf16>, vector<256x128xf32> -> vector<256x128xf32>
    %broadcast_in_dim3A_98 = vector.shape_cast %dot_general3A_97 : vector<256x128xf32> to vector<256x1x128xf32>
    %swap3A_99 = arith.constant 0 : index
    %swap3A_100 = arith.constant 6 : index
    %swap3A_101 = arith.constant 0 : index
    %swap3A_102 = vector.load %arg3[%swap3A_99, %swap3A_100, %swap3A_101] : memref<256x34x128xf32, #tpu.memory_space<vmem>>, vector<256x1x128xf32>
    tpu.vector_store %arg3[%swap3A_99, %swap3A_100, %swap3A_101], %broadcast_in_dim3A_98 {strides = array<i32>} : memref<256x34x128xf32, #tpu.memory_space<vmem>>, vector<256x1x128xf32>,
    %get3A_103 = arith.constant 0 : index
    %get3A_104 = arith.constant 7 : index
    %get3A_105 = vector.load %arg1[%get3A_103, %get3A_104] : memref<256x34xi32, #tpu.memory_space<vmem>>, vector<256x1xi32>
    %eq3A_106 = vector.broadcast %get3A_105 : vector<256x1xi32> to vector<256x1000xi32>
    %eq3A_107 = arith.cmpi eq, %eq3A_106, %iota3A : vector<256x1000xi32>
    %convert_element_type3A_108 = arith.extui %eq3A_107 : vector<256x1000xi1> to vector<256x1000xi32>
    %convert_element_type3A_109 = arith.sitofp %convert_element_type3A_108 : vector<256x1000xi32> to vector<256x1000xf32>
    %convert_element_type3A_110 = arith.truncf %convert_element_type3A_109 : vector<256x1000xf32> to vector<256x1000xbf16>
    %dot_general3A_111 = arith.constant dense<0.000000e+00> : vector<256x128xf32>
    %dot_general3A_112 = tpu.matmul %convert_element_type3A_110, %convert_element_type3A, %dot_general3A_111 {dimension_numbers = #tpu.dot_dimension_numbers<[1], [0], [0], [1], [0, 0, 1, 1], [], []>, transpose_lhs_hint = false} : vector<256x1000xbf16>, vector<1000x128xbf16>, vector<256x128xf32> -> vector<256x128xf32>
    %broadcast_in_dim3A_113 = vector.shape_cast %dot_general3A_112 : vector<256x128xf32> to vector<256x1x128xf32>
    %swap3A_114 = arith.constant 0 : index
    %swap3A_115 = arith.constant 7 : index
    %swap3A_116 = arith.constant 0 : index
    %swap3A_117 = vector.load %arg3[%swap3A_114, %swap3A_115, %swap3A_116] : memref<256x34x128xf32, #tpu.memory_space<vmem>>, vector<256x1x128xf32>
    tpu.vector_store %arg3[%swap3A_114, %swap3A_115, %swap3A_116], %broadcast_in_dim3A_113 {strides = array<i32>} : memref<256x34x128xf32, #tpu.memory_space<vmem>>, vector<256x1x128xf32>,
    %get3A_118 = arith.constant 0 : index
    %get3A_119 = arith.constant 8 : index
    %get3A_120 = vector.load %arg1[%get3A_118, %get3A_119] : memref<256x34xi32, #tpu.memory_space<vmem>>, vector<256x1xi32>
    %eq3A_121 = vector.broadcast %get3A_120 : vector<256x1xi32> to vector<256x1000xi32>
    %eq3A_122 = arith.cmpi eq, %eq3A_121, %iota3A : vector<256x1000xi32>
    %convert_element_type3A_123 = arith.extui %eq3A_122 : vector<256x1000xi1> to vector<256x1000xi32>
    %convert_element_type3A_124 = arith.sitofp %convert_element_type3A_123 : vector<256x1000xi32> to vector<256x1000xf32>
    %convert_element_type3A_125 = arith.truncf %convert_element_type3A_124 : vector<256x1000xf32> to vector<256x1000xbf16>
    %dot_general3A_126 = arith.constant dense<0.000000e+00> : vector<256x128xf32>
    %dot_general3A_127 = tpu.matmul %convert_element_type3A_125, %convert_element_type3A, %dot_general3A_126 {dimension_numbers = #tpu.dot_dimension_numbers<[1], [0], [0], [1], [0, 0, 1, 1], [], []>, transpose_lhs_hint = false} : vector<256x1000xbf16>, vector<1000x128xbf16>, vector<256x128xf32> -> vector<256x128xf32>
    %broadcast_in_dim3A_128 = vector.shape_cast %dot_general3A_127 : vector<256x128xf32> to vector<256x1x128xf32>
    %swap3A_129 = arith.constant 0 : index
    %swap3A_130 = arith.constant 8 : index
    %swap3A_131 = arith.constant 0 : index
    %swap3A_132 = vector.load %arg3[%swap3A_129, %swap3A_130, %swap3A_131] : memref<256x34x128xf32, #tpu.memory_space<vmem>>, vector<256x1x128xf32>
    tpu.vector_store %arg3[%swap3A_129, %swap3A_130, %swap3A_131], %broadcast_in_dim3A_128 {strides = array<i32>} : memref<256x34x128xf32, #tpu.memory_space<vmem>>, vector<256x1x128xf32>,
    %get3A_133 = arith.constant 0 : index
    %get3A_134 = arith.constant 9 : index
    %get3A_135 = vector.load %arg1[%get3A_133, %get3A_134] : memref<256x34xi32, #tpu.memory_space<vmem>>, vector<256x1xi32>
    %eq3A_136 = vector.broadcast %get3A_135 : vector<256x1xi32> to vector<256x1000xi32>
    %eq3A_137 = arith.cmpi eq, %eq3A_136, %iota3A : vector<256x1000xi32>
    %convert_element_type3A_138 = arith.extui %eq3A_137 : vector<256x1000xi1> to vector<256x1000xi32>
    %convert_element_type3A_139 = arith.sitofp %convert_element_type3A_138 : vector<256x1000xi32> to vector<256x1000xf32>
    %convert_element_type3A_140 = arith.truncf %convert_element_type3A_139 : vector<256x1000xf32> to vector<256x1000xbf16>
    %dot_general3A_141 = arith.constant dense<0.000000e+00> : vector<256x128xf32>
    %dot_general3A_142 = tpu.matmul %convert_element_type3A_140, %convert_element_type3A, %dot_general3A_141 {dimension_numbers = #tpu.dot_dimension_numbers<[1], [0], [0], [1], [0, 0, 1, 1], [], []>, transpose_lhs_hint = false} : vector<256x1000xbf16>, vector<1000x128xbf16>, vector<256x128xf32> -> vector<256x128xf32>
    %broadcast_in_dim3A_143 = vector.shape_cast %dot_general3A_142 : vector<256x128xf32> to vector<256x1x128xf32>
    %swap3A_144 = arith.constant 0 : index
    %swap3A_145 = arith.constant 9 : index
    %swap3A_146 = arith.constant 0 : index
    %swap3A_147 = vector.load %arg3[%swap3A_144, %swap3A_145, %swap3A_146] : memref<256x34x128xf32, #tpu.memory_space<vmem>>, vector<256x1x128xf32>
    tpu.vector_store %arg3[%swap3A_144, %swap3A_145, %swap3A_146], %broadcast_in_dim3A_143 {strides = array<i32>} : memref<256x34x128xf32, #tpu.memory_space<vmem>>, vector<256x1x128xf32>,
    %get3A_148 = arith.constant 0 : index
    %get3A_149 = arith.constant 10 : index
    %get3A_150 = vector.load %arg1[%get3A_148, %get3A_149] : memref<256x34xi32, #tpu.memory_space<vmem>>, vector<256x1xi32>
    %eq3A_151 = vector.broadcast %get3A_150 : vector<256x1xi32> to vector<256x1000xi32>
    %eq3A_152 = arith.cmpi eq, %eq3A_151, %iota3A : vector<256x1000xi32>
    %convert_element_type3A_153 = arith.extui %eq3A_152 : vector<256x1000xi1> to vector<256x1000xi32>
    %convert_element_type3A_154 = arith.sitofp %convert_element_type3A_153 : vector<256x1000xi32> to vector<256x1000xf32>
    %convert_element_type3A_155 = arith.truncf %convert_element_type3A_154 : vector<256x1000xf32> to vector<256x1000xbf16>
    %dot_general3A_156 = arith.constant dense<0.000000e+00> : vector<256x128xf32>
    %dot_general3A_157 = tpu.matmul %convert_element_type3A_155, %convert_element_type3A, %dot_general3A_156 {dimension_numbers = #tpu.dot_dimension_numbers<[1], [0], [0], [1], [0, 0, 1, 1], [], []>, transpose_lhs_hint = false} : vector<256x1000xbf16>, vector<1000x128xbf16>, vector<256x128xf32> -> vector<256x128xf32>
    %broadcast_in_dim3A_158 = vector.shape_cast %dot_general3A_157 : vector<256x128xf32> to vector<256x1x128xf32>
    %swap3A_159 = arith.constant 0 : index
    %swap3A_160 = arith.constant 10 : index
    %swap3A_161 = arith.constant 0 : index
    %swap3A_162 = vector.load %arg3[%swap3A_159, %swap3A_160, %swap3A_161] : memref<256x34x128xf32, #tpu.memory_space<vmem>>, vector<256x1x128xf32>
    tpu.vector_store %arg3[%swap3A_159, %swap3A_160, %swap3A_161], %broadcast_in_dim3A_158 {strides = array<i32>} : memref<256x34x128xf32, #tpu.memory_space<vmem>>, vector<256x1x128xf32>,
    %get3A_163 = arith.constant 0 : index
    %get3A_164 = arith.constant 11 : index
    %get3A_165 = vector.load %arg1[%get3A_163, %get3A_164] : memref<256x34xi32, #tpu.memory_space<vmem>>, vector<256x1xi32>
    %eq3A_166 = vector.broadcast %get3A_165 : vector<256x1xi32> to vector<256x1000xi32>
    %eq3A_167 = arith.cmpi eq, %eq3A_166, %iota3A : vector<256x1000xi32>
    %convert_element_type3A_168 = arith.extui %eq3A_167 : vector<256x1000xi1> to vector<256x1000xi32>
    %convert_element_type3A_169 = arith.sitofp %convert_element_type3A_168 : vector<256x1000xi32> to vector<256x1000xf32>
    %convert_element_type3A_170 = arith.truncf %convert_element_type3A_169 : vector<256x1000xf32> to vector<256x1000xbf16>
    %dot_general3A_171 = arith.constant dense<0.000000e+00> : vector<256x128xf32>
    %dot_general3A_172 = tpu.matmul %convert_element_type3A_170, %convert_element_type3A, %dot_general3A_171 {dimension_numbers = #tpu.dot_dimension_numbers<[1], [0], [0], [1], [0, 0, 1, 1], [], []>, transpose_lhs_hint = false} : vector<256x1000xbf16>, vector<1000x128xbf16>, vector<256x128xf32> -> vector<256x128xf32>
    %broadcast_in_dim3A_173 = vector.shape_cast %dot_general3A_172 : vector<256x128xf32> to vector<256x1x128xf32>
    %swap3A_174 = arith.constant 0 : index
    %swap3A_175 = arith.constant 11 : index
    %swap3A_176 = arith.constant 0 : index
    %swap3A_177 = vector.load %arg3[%swap3A_174, %swap3A_175, %swap3A_176] : memref<256x34x128xf32, #tpu.memory_space<vmem>>, vector<256x1x128xf32>
    tpu.vector_store %arg3[%swap3A_174, %swap3A_175, %swap3A_176], %broadcast_in_dim3A_173 {strides = array<i32>} : memref<256x34x128xf32, #tpu.memory_space<vmem>>, vector<256x1x128xf32>,
    %get3A_178 = arith.constant 0 : index
    %get3A_179 = arith.constant 12 : index
    %get3A_180 = vector.load %arg1[%get3A_178, %get3A_179] : memref<256x34xi32, #tpu.memory_space<vmem>>, vector<256x1xi32>
    %eq3A_181 = vector.broadcast %get3A_180 : vector<256x1xi32> to vector<256x1000xi32>
    %eq3A_182 = arith.cmpi eq, %eq3A_181, %iota3A : vector<256x1000xi32>
    %convert_element_type3A_183 = arith.extui %eq3A_182 : vector<256x1000xi1> to vector<256x1000xi32>
    %convert_element_type3A_184 = arith.sitofp %convert_element_type3A_183 : vector<256x1000xi32> to vector<256x1000xf32>
    %convert_element_type3A_185 = arith.truncf %convert_element_type3A_184 : vector<256x1000xf32> to vector<256x1000xbf16>
    %dot_general3A_186 = arith.constant dense<0.000000e+00> : vector<256x128xf32>
    %dot_general3A_187 = tpu.matmul %convert_element_type3A_185, %convert_element_type3A, %dot_general3A_186 {dimension_numbers = #tpu.dot_dimension_numbers<[1], [0], [0], [1], [0, 0, 1, 1], [], []>, transpose_lhs_hint = false} : vector<256x1000xbf16>, vector<1000x128xbf16>, vector<256x128xf32> -> vector<256x128xf32>
    %broadcast_in_dim3A_188 = vector.shape_cast %dot_general3A_187 : vector<256x128xf32> to vector<256x1x128xf32>
    %swap3A_189 = arith.constant 0 : index
    %swap3A_190 = arith.constant 12 : index
    %swap3A_191 = arith.constant 0 : index
    %swap3A_192 = vector.load %arg3[%swap3A_189, %swap3A_190, %swap3A_191] : memref<256x34x128xf32, #tpu.memory_space<vmem>>, vector<256x1x128xf32>
    tpu.vector_store %arg3[%swap3A_189, %swap3A_190, %swap3A_191], %broadcast_in_dim3A_188 {strides = array<i32>} : memref<256x34x128xf32, #tpu.memory_space<vmem>>, vector<256x1x128xf32>,
    %get3A_193 = arith.constant 0 : index
    %get3A_194 = arith.constant 13 : index
    %get3A_195 = vector.load %arg1[%get3A_193, %get3A_194] : memref<256x34xi32, #tpu.memory_space<vmem>>, vector<256x1xi32>
    %eq3A_196 = vector.broadcast %get3A_195 : vector<256x1xi32> to vector<256x1000xi32>
    %eq3A_197 = arith.cmpi eq, %eq3A_196, %iota3A : vector<256x1000xi32>
    %convert_element_type3A_198 = arith.extui %eq3A_197 : vector<256x1000xi1> to vector<256x1000xi32>
    %convert_element_type3A_199 = arith.sitofp %convert_element_type3A_198 : vector<256x1000xi32> to vector<256x1000xf32>
    %convert_element_type3A_200 = arith.truncf %convert_element_type3A_199 : vector<256x1000xf32> to vector<256x1000xbf16>
    %dot_general3A_201 = arith.constant dense<0.000000e+00> : vector<256x128xf32>
    %dot_general3A_202 = tpu.matmul %convert_element_type3A_200, %convert_element_type3A, %dot_general3A_201 {dimension_numbers = #tpu.dot_dimension_numbers<[1], [0], [0], [1], [0, 0, 1, 1], [], []>, transpose_lhs_hint = false} : vector<256x1000xbf16>, vector<1000x128xbf16>, vector<256x128xf32> -> vector<256x128xf32>
    %broadcast_in_dim3A_203 = vector.shape_cast %dot_general3A_202 : vector<256x128xf32> to vector<256x1x128xf32>
    %swap3A_204 = arith.constant 0 : index
    %swap3A_205 = arith.constant 13 : index
    %swap3A_206 = arith.constant 0 : index
    %swap3A_207 = vector.load %arg3[%swap3A_204, %swap3A_205, %swap3A_206] : memref<256x34x128xf32, #tpu.memory_space<vmem>>, vector<256x1x128xf32>
    tpu.vector_store %arg3[%swap3A_204, %swap3A_205, %swap3A_206], %broadcast_in_dim3A_203 {strides = array<i32>} : memref<256x34x128xf32, #tpu.memory_space<vmem>>, vector<256x1x128xf32>,
    %get3A_208 = arith.constant 0 : index
    %get3A_209 = arith.constant 14 : index
    %get3A_210 = vector.load %arg1[%get3A_208, %get3A_209] : memref<256x34xi32, #tpu.memory_space<vmem>>, vector<256x1xi32>
    %eq3A_211 = vector.broadcast %get3A_210 : vector<256x1xi32> to vector<256x1000xi32>
    %eq3A_212 = arith.cmpi eq, %eq3A_211, %iota3A : vector<256x1000xi32>
    %convert_element_type3A_213 = arith.extui %eq3A_212 : vector<256x1000xi1> to vector<256x1000xi32>
    %convert_element_type3A_214 = arith.sitofp %convert_element_type3A_213 : vector<256x1000xi32> to vector<256x1000xf32>
    %convert_element_type3A_215 = arith.truncf %convert_element_type3A_214 : vector<256x1000xf32> to vector<256x1000xbf16>
    %dot_general3A_216 = arith.constant dense<0.000000e+00> : vector<256x128xf32>
    %dot_general3A_217 = tpu.matmul %convert_element_type3A_215, %convert_element_type3A, %dot_general3A_216 {dimension_numbers = #tpu.dot_dimension_numbers<[1], [0], [0], [1], [0, 0, 1, 1], [], []>, transpose_lhs_hint = false} : vector<256x1000xbf16>, vector<1000x128xbf16>, vector<256x128xf32> -> vector<256x128xf32>
    %broadcast_in_dim3A_218 = vector.shape_cast %dot_general3A_217 : vector<256x128xf32> to vector<256x1x128xf32>
    %swap3A_219 = arith.constant 0 : index
    %swap3A_220 = arith.constant 14 : index
    %swap3A_221 = arith.constant 0 : index
    %swap3A_222 = vector.load %arg3[%swap3A_219, %swap3A_220, %swap3A_221] : memref<256x34x128xf32, #tpu.memory_space<vmem>>, vector<256x1x128xf32>
    tpu.vector_store %arg3[%swap3A_219, %swap3A_220, %swap3A_221], %broadcast_in_dim3A_218 {strides = array<i32>} : memref<256x34x128xf32, #tpu.memory_space<vmem>>, vector<256x1x128xf32>,
    %get3A_223 = arith.constant 0 : index
    %get3A_224 = arith.constant 15 : index
    %get3A_225 = vector.load %arg1[%get3A_223, %get3A_224] : memref<256x34xi32, #tpu.memory_space<vmem>>, vector<256x1xi32>
    %eq3A_226 = vector.broadcast %get3A_225 : vector<256x1xi32> to vector<256x1000xi32>
    %eq3A_227 = arith.cmpi eq, %eq3A_226, %iota3A : vector<256x1000xi32>
    %convert_element_type3A_228 = arith.extui %eq3A_227 : vector<256x1000xi1> to vector<256x1000xi32>
    %convert_element_type3A_229 = arith.sitofp %convert_element_type3A_228 : vector<256x1000xi32> to vector<256x1000xf32>
    %convert_element_type3A_230 = arith.truncf %convert_element_type3A_229 : vector<256x1000xf32> to vector<256x1000xbf16>
    %dot_general3A_231 = arith.constant dense<0.000000e+00> : vector<256x128xf32>
    %dot_general3A_232 = tpu.matmul %convert_element_type3A_230, %convert_element_type3A, %dot_general3A_231 {dimension_numbers = #tpu.dot_dimension_numbers<[1], [0], [0], [1], [0, 0, 1, 1], [], []>, transpose_lhs_hint = false} : vector<256x1000xbf16>, vector<1000x128xbf16>, vector<256x128xf32> -> vector<256x128xf32>
    %broadcast_in_dim3A_233 = vector.shape_cast %dot_general3A_232 : vector<256x128xf32> to vector<256x1x128xf32>
    %swap3A_234 = arith.constant 0 : index
    %swap3A_235 = arith.constant 15 : index
    %swap3A_236 = arith.constant 0 : index
    %swap3A_237 = vector.load %arg3[%swap3A_234, %swap3A_235, %swap3A_236] : memref<256x34x128xf32, #tpu.memory_space<vmem>>, vector<256x1x128xf32>
    tpu.vector_store %arg3[%swap3A_234, %swap3A_235, %swap3A_236], %broadcast_in_dim3A_233 {strides = array<i32>} : memref<256x34x128xf32, #tpu.memory_space<vmem>>, vector<256x1x128xf32>,
    %get3A_238 = arith.constant 0 : index
    %get3A_239 = arith.constant 16 : index
    %get3A_240 = vector.load %arg1[%get3A_238, %get3A_239] : memref<256x34xi32, #tpu.memory_space<vmem>>, vector<256x1xi32>
    %eq3A_241 = vector.broadcast %get3A_240 : vector<256x1xi32> to vector<256x1000xi32>
    %eq3A_242 = arith.cmpi eq, %eq3A_241, %iota3A : vector<256x1000xi32>
    %convert_element_type3A_243 = arith.extui %eq3A_242 : vector<256x1000xi1> to vector<256x1000xi32>
    %convert_element_type3A_244 = arith.sitofp %convert_element_type3A_243 : vector<256x1000xi32> to vector<256x1000xf32>
    %convert_element_type3A_245 = arith.truncf %convert_element_type3A_244 : vector<256x1000xf32> to vector<256x1000xbf16>
    %dot_general3A_246 = arith.constant dense<0.000000e+00> : vector<256x128xf32>
    %dot_general3A_247 = tpu.matmul %convert_element_type3A_245, %convert_element_type3A, %dot_general3A_246 {dimension_numbers = #tpu.dot_dimension_numbers<[1], [0], [0], [1], [0, 0, 1, 1], [], []>, transpose_lhs_hint = false} : vector<256x1000xbf16>, vector<1000x128xbf16>, vector<256x128xf32> -> vector<256x128xf32>
    %broadcast_in_dim3A_248 = vector.shape_cast %dot_general3A_247 : vector<256x128xf32> to vector<256x1x128xf32>
    %swap3A_249 = arith.constant 0 : index
    %swap3A_250 = arith.constant 16 : index
    %swap3A_251 = arith.constant 0 : index
    %swap3A_252 = vector.load %arg3[%swap3A_249, %swap3A_250, %swap3A_251] : memref<256x34x128xf32, #tpu.memory_space<vmem>>, vector<256x1x128xf32>
    tpu.vector_store %arg3[%swap3A_249, %swap3A_250, %swap3A_251], %broadcast_in_dim3A_248 {strides = array<i32>} : memref<256x34x128xf32, #tpu.memory_space<vmem>>, vector<256x1x128xf32>,
    %get3A_253 = arith.constant 0 : index
    %get3A_254 = arith.constant 17 : index
    %get3A_255 = vector.load %arg1[%get3A_253, %get3A_254] : memref<256x34xi32, #tpu.memory_space<vmem>>, vector<256x1xi32>
    %eq3A_256 = vector.broadcast %get3A_255 : vector<256x1xi32> to vector<256x1000xi32>
    %eq3A_257 = arith.cmpi eq, %eq3A_256, %iota3A : vector<256x1000xi32>
    %convert_element_type3A_258 = arith.extui %eq3A_257 : vector<256x1000xi1> to vector<256x1000xi32>
    %convert_element_type3A_259 = arith.sitofp %convert_element_type3A_258 : vector<256x1000xi32> to vector<256x1000xf32>
    %convert_element_type3A_260 = arith.truncf %convert_element_type3A_259 : vector<256x1000xf32> to vector<256x1000xbf16>
    %dot_general3A_261 = arith.constant dense<0.000000e+00> : vector<256x128xf32>
    %dot_general3A_262 = tpu.matmul %convert_element_type3A_260, %convert_element_type3A, %dot_general3A_261 {dimension_numbers = #tpu.dot_dimension_numbers<[1], [0], [0], [1], [0, 0, 1, 1], [], []>, transpose_lhs_hint = false} : vector<256x1000xbf16>, vector<1000x128xbf16>, vector<256x128xf32> -> vector<256x128xf32>
    %broadcast_in_dim3A_263 = vector.shape_cast %dot_general3A_262 : vector<256x128xf32> to vector<256x1x128xf32>
    %swap3A_264 = arith.constant 0 : index
    %swap3A_265 = arith.constant 17 : index
    %swap3A_266 = arith.constant 0 : index
    %swap3A_267 = vector.load %arg3[%swap3A_264, %swap3A_265, %swap3A_266] : memref<256x34x128xf32, #tpu.memory_space<vmem>>, vector<256x1x128xf32>
    tpu.vector_store %arg3[%swap3A_264, %swap3A_265, %swap3A_266], %broadcast_in_dim3A_263 {strides = array<i32>} : memref<256x34x128xf32, #tpu.memory_space<vmem>>, vector<256x1x128xf32>,
    %get3A_268 = arith.constant 0 : index
    %get3A_269 = arith.constant 18 : index
    %get3A_270 = vector.load %arg1[%get3A_268, %get3A_269] : memref<256x34xi32, #tpu.memory_space<vmem>>, vector<256x1xi32>
    %eq3A_271 = vector.broadcast %get3A_270 : vector<256x1xi32> to vector<256x1000xi32>
    %eq3A_272 = arith.cmpi eq, %eq3A_271, %iota3A : vector<256x1000xi32>
    %convert_element_type3A_273 = arith.extui %eq3A_272 : vector<256x1000xi1> to vector<256x1000xi32>
    %convert_element_type3A_274 = arith.sitofp %convert_element_type3A_273 : vector<256x1000xi32> to vector<256x1000xf32>
    %convert_element_type3A_275 = arith.truncf %convert_element_type3A_274 : vector<256x1000xf32> to vector<256x1000xbf16>
    %dot_general3A_276 = arith.constant dense<0.000000e+00> : vector<256x128xf32>
    %dot_general3A_277 = tpu.matmul %convert_element_type3A_275, %convert_element_type3A, %dot_general3A_276 {dimension_numbers = #tpu.dot_dimension_numbers<[1], [0], [0], [1], [0, 0, 1, 1], [], []>, transpose_lhs_hint = false} : vector<256x1000xbf16>, vector<1000x128xbf16>, vector<256x128xf32> -> vector<256x128xf32>
    %broadcast_in_dim3A_278 = vector.shape_cast %dot_general3A_277 : vector<256x128xf32> to vector<256x1x128xf32>
    %swap3A_279 = arith.constant 0 : index
    %swap3A_280 = arith.constant 18 : index
    %swap3A_281 = arith.constant 0 : index
    %swap3A_282 = vector.load %arg3[%swap3A_279, %swap3A_280, %swap3A_281] : memref<256x34x128xf32, #tpu.memory_space<vmem>>, vector<256x1x128xf32>
    tpu.vector_store %arg3[%swap3A_279, %swap3A_280, %swap3A_281], %broadcast_in_dim3A_278 {strides = array<i32>} : memref<256x34x128xf32, #tpu.memory_space<vmem>>, vector<256x1x128xf32>,
    %get3A_283 = arith.constant 0 : index
    %get3A_284 = arith.constant 19 : index
    %get3A_285 = vector.load %arg1[%get3A_283, %get3A_284] : memref<256x34xi32, #tpu.memory_space<vmem>>, vector<256x1xi32>
    %eq3A_286 = vector.broadcast %get3A_285 : vector<256x1xi32> to vector<256x1000xi32>
    %eq3A_287 = arith.cmpi eq, %eq3A_286, %iota3A : vector<256x1000xi32>
    %convert_element_type3A_288 = arith.extui %eq3A_287 : vector<256x1000xi1> to vector<256x1000xi32>
    %convert_element_type3A_289 = arith.sitofp %convert_element_type3A_288 : vector<256x1000xi32> to vector<256x1000xf32>
    %convert_element_type3A_290 = arith.truncf %convert_element_type3A_289 : vector<256x1000xf32> to vector<256x1000xbf16>
    %dot_general3A_291 = arith.constant dense<0.000000e+00> : vector<256x128xf32>
    %dot_general3A_292 = tpu.matmul %convert_element_type3A_290, %convert_element_type3A, %dot_general3A_291 {dimension_numbers = #tpu.dot_dimension_numbers<[1], [0], [0], [1], [0, 0, 1, 1], [], []>, transpose_lhs_hint = false} : vector<256x1000xbf16>, vector<1000x128xbf16>, vector<256x128xf32> -> vector<256x128xf32>
    %broadcast_in_dim3A_293 = vector.shape_cast %dot_general3A_292 : vector<256x128xf32> to vector<256x1x128xf32>
    %swap3A_294 = arith.constant 0 : index
    %swap3A_295 = arith.constant 19 : index
    %swap3A_296 = arith.constant 0 : index
    %swap3A_297 = vector.load %arg3[%swap3A_294, %swap3A_295, %swap3A_296] : memref<256x34x128xf32, #tpu.memory_space<vmem>>, vector<256x1x128xf32>
    tpu.vector_store %arg3[%swap3A_294, %swap3A_295, %swap3A_296], %broadcast_in_dim3A_293 {strides = array<i32>} : memref<256x34x128xf32, #tpu.memory_space<vmem>>, vector<256x1x128xf32>,
    %get3A_298 = arith.constant 0 : index
    %get3A_299 = arith.constant 20 : index
    %get3A_300 = vector.load %arg1[%get3A_298, %get3A_299] : memref<256x34xi32, #tpu.memory_space<vmem>>, vector<256x1xi32>
    %eq3A_301 = vector.broadcast %get3A_300 : vector<256x1xi32> to vector<256x1000xi32>
    %eq3A_302 = arith.cmpi eq, %eq3A_301, %iota3A : vector<256x1000xi32>
    %convert_element_type3A_303 = arith.extui %eq3A_302 : vector<256x1000xi1> to vector<256x1000xi32>
    %convert_element_type3A_304 = arith.sitofp %convert_element_type3A_303 : vector<256x1000xi32> to vector<256x1000xf32>
    %convert_element_type3A_305 = arith.truncf %convert_element_type3A_304 : vector<256x1000xf32> to vector<256x1000xbf16>
    %dot_general3A_306 = arith.constant dense<0.000000e+00> : vector<256x128xf32>
    %dot_general3A_307 = tpu.matmul %convert_element_type3A_305, %convert_element_type3A, %dot_general3A_306 {dimension_numbers = #tpu.dot_dimension_numbers<[1], [0], [0], [1], [0, 0, 1, 1], [], []>, transpose_lhs_hint = false} : vector<256x1000xbf16>, vector<1000x128xbf16>, vector<256x128xf32> -> vector<256x128xf32>
    %broadcast_in_dim3A_308 = vector.shape_cast %dot_general3A_307 : vector<256x128xf32> to vector<256x1x128xf32>
    %swap3A_309 = arith.constant 0 : index
    %swap3A_310 = arith.constant 20 : index
    %swap3A_311 = arith.constant 0 : index
    %swap3A_312 = vector.load %arg3[%swap3A_309, %swap3A_310, %swap3A_311] : memref<256x34x128xf32, #tpu.memory_space<vmem>>, vector<256x1x128xf32>
    tpu.vector_store %arg3[%swap3A_309, %swap3A_310, %swap3A_311], %broadcast_in_dim3A_308 {strides = array<i32>} : memref<256x34x128xf32, #tpu.memory_space<vmem>>, vector<256x1x128xf32>,
    %get3A_313 = arith.constant 0 : index
    %get3A_314 = arith.constant 21 : index
    %get3A_315 = vector.load %arg1[%get3A_313, %get3A_314] : memref<256x34xi32, #tpu.memory_space<vmem>>, vector<256x1xi32>
    %eq3A_316 = vector.broadcast %get3A_315 : vector<256x1xi32> to vector<256x1000xi32>
    %eq3A_317 = arith.cmpi eq, %eq3A_316, %iota3A : vector<256x1000xi32>
    %convert_element_type3A_318 = arith.extui %eq3A_317 : vector<256x1000xi1> to vector<256x1000xi32>
    %convert_element_type3A_319 = arith.sitofp %convert_element_type3A_318 : vector<256x1000xi32> to vector<256x1000xf32>
    %convert_element_type3A_320 = arith.truncf %convert_element_type3A_319 : vector<256x1000xf32> to vector<256x1000xbf16>
    %dot_general3A_321 = arith.constant dense<0.000000e+00> : vector<256x128xf32>
    %dot_general3A_322 = tpu.matmul %convert_element_type3A_320, %convert_element_type3A, %dot_general3A_321 {dimension_numbers = #tpu.dot_dimension_numbers<[1], [0], [0], [1], [0, 0, 1, 1], [], []>, transpose_lhs_hint = false} : vector<256x1000xbf16>, vector<1000x128xbf16>, vector<256x128xf32> -> vector<256x128xf32>
    %broadcast_in_dim3A_323 = vector.shape_cast %dot_general3A_322 : vector<256x128xf32> to vector<256x1x128xf32>
    %swap3A_324 = arith.constant 0 : index
    %swap3A_325 = arith.constant 21 : index
    %swap3A_326 = arith.constant 0 : index
    %swap3A_327 = vector.load %arg3[%swap3A_324, %swap3A_325, %swap3A_326] : memref<256x34x128xf32, #tpu.memory_space<vmem>>, vector<256x1x128xf32>
    tpu.vector_store %arg3[%swap3A_324, %swap3A_325, %swap3A_326], %broadcast_in_dim3A_323 {strides = array<i32>} : memref<256x34x128xf32, #tpu.memory_space<vmem>>, vector<256x1x128xf32>,
    %get3A_328 = arith.constant 0 : index
    %get3A_329 = arith.constant 22 : index
    %get3A_330 = vector.load %arg1[%get3A_328, %get3A_329] : memref<256x34xi32, #tpu.memory_space<vmem>>, vector<256x1xi32>
    %eq3A_331 = vector.broadcast %get3A_330 : vector<256x1xi32> to vector<256x1000xi32>
    %eq3A_332 = arith.cmpi eq, %eq3A_331, %iota3A : vector<256x1000xi32>
    %convert_element_type3A_333 = arith.extui %eq3A_332 : vector<256x1000xi1> to vector<256x1000xi32>
    %convert_element_type3A_334 = arith.sitofp %convert_element_type3A_333 : vector<256x1000xi32> to vector<256x1000xf32>
    %convert_element_type3A_335 = arith.truncf %convert_element_type3A_334 : vector<256x1000xf32> to vector<256x1000xbf16>
    %dot_general3A_336 = arith.constant dense<0.000000e+00> : vector<256x128xf32>
    %dot_general3A_337 = tpu.matmul %convert_element_type3A_335, %convert_element_type3A, %dot_general3A_336 {dimension_numbers = #tpu.dot_dimension_numbers<[1], [0], [0], [1], [0, 0, 1, 1], [], []>, transpose_lhs_hint = false} : vector<256x1000xbf16>, vector<1000x128xbf16>, vector<256x128xf32> -> vector<256x128xf32>
    %broadcast_in_dim3A_338 = vector.shape_cast %dot_general3A_337 : vector<256x128xf32> to vector<256x1x128xf32>
    %swap3A_339 = arith.constant 0 : index
    %swap3A_340 = arith.constant 22 : index
    %swap3A_341 = arith.constant 0 : index
    %swap3A_342 = vector.load %arg3[%swap3A_339, %swap3A_340, %swap3A_341] : memref<256x34x128xf32, #tpu.memory_space<vmem>>, vector<256x1x128xf32>
    tpu.vector_store %arg3[%swap3A_339, %swap3A_340, %swap3A_341], %broadcast_in_dim3A_338 {strides = array<i32>} : memref<256x34x128xf32, #tpu.memory_space<vmem>>, vector<256x1x128xf32>,
    %get3A_343 = arith.constant 0 : index
    %get3A_344 = arith.constant 23 : index
    %get3A_345 = vector.load %arg1[%get3A_343, %get3A_344] : memref<256x34xi32, #tpu.memory_space<vmem>>, vector<256x1xi32>
    %eq3A_346 = vector.broadcast %get3A_345 : vector<256x1xi32> to vector<256x1000xi32>
    %eq3A_347 = arith.cmpi eq, %eq3A_346, %iota3A : vector<256x1000xi32>
    %convert_element_type3A_348 = arith.extui %eq3A_347 : vector<256x1000xi1> to vector<256x1000xi32>
    %convert_element_type3A_349 = arith.sitofp %convert_element_type3A_348 : vector<256x1000xi32> to vector<256x1000xf32>
    %convert_element_type3A_350 = arith.truncf %convert_element_type3A_349 : vector<256x1000xf32> to vector<256x1000xbf16>
    %dot_general3A_351 = arith.constant dense<0.000000e+00> : vector<256x128xf32>
    %dot_general3A_352 = tpu.matmul %convert_element_type3A_350, %convert_element_type3A, %dot_general3A_351 {dimension_numbers = #tpu.dot_dimension_numbers<[1], [0], [0], [1], [0, 0, 1, 1], [], []>, transpose_lhs_hint = false} : vector<256x1000xbf16>, vector<1000x128xbf16>, vector<256x128xf32> -> vector<256x128xf32>
    %broadcast_in_dim3A_353 = vector.shape_cast %dot_general3A_352 : vector<256x128xf32> to vector<256x1x128xf32>
    %swap3A_354 = arith.constant 0 : index
    %swap3A_355 = arith.constant 23 : index
    %swap3A_356 = arith.constant 0 : index
    %swap3A_357 = vector.load %arg3[%swap3A_354, %swap3A_355, %swap3A_356] : memref<256x34x128xf32, #tpu.memory_space<vmem>>, vector<256x1x128xf32>
    tpu.vector_store %arg3[%swap3A_354, %swap3A_355, %swap3A_356], %broadcast_in_dim3A_353 {strides = array<i32>} : memref<256x34x128xf32, #tpu.memory_space<vmem>>, vector<256x1x128xf32>,
    %get3A_358 = arith.constant 0 : index
    %get3A_359 = arith.constant 24 : index
    %get3A_360 = vector.load %arg1[%get3A_358, %get3A_359] : memref<256x34xi32, #tpu.memory_space<vmem>>, vector<256x1xi32>
    %eq3A_361 = vector.broadcast %get3A_360 : vector<256x1xi32> to vector<256x1000xi32>
    %eq3A_362 = arith.cmpi eq, %eq3A_361, %iota3A : vector<256x1000xi32>
    %convert_element_type3A_363 = arith.extui %eq3A_362 : vector<256x1000xi1> to vector<256x1000xi32>
    %convert_element_type3A_364 = arith.sitofp %convert_element_type3A_363 : vector<256x1000xi32> to vector<256x1000xf32>
    %convert_element_type3A_365 = arith.truncf %convert_element_type3A_364 : vector<256x1000xf32> to vector<256x1000xbf16>
    %dot_general3A_366 = arith.constant dense<0.000000e+00> : vector<256x128xf32>
    %dot_general3A_367 = tpu.matmul %convert_element_type3A_365, %convert_element_type3A, %dot_general3A_366 {dimension_numbers = #tpu.dot_dimension_numbers<[1], [0], [0], [1], [0, 0, 1, 1], [], []>, transpose_lhs_hint = false} : vector<256x1000xbf16>, vector<1000x128xbf16>, vector<256x128xf32> -> vector<256x128xf32>
    %broadcast_in_dim3A_368 = vector.shape_cast %dot_general3A_367 : vector<256x128xf32> to vector<256x1x128xf32>
    %swap3A_369 = arith.constant 0 : index
    %swap3A_370 = arith.constant 24 : index
    %swap3A_371 = arith.constant 0 : index
    %swap3A_372 = vector.load %arg3[%swap3A_369, %swap3A_370, %swap3A_371] : memref<256x34x128xf32, #tpu.memory_space<vmem>>, vector<256x1x128xf32>
    tpu.vector_store %arg3[%swap3A_369, %swap3A_370, %swap3A_371], %broadcast_in_dim3A_368 {strides = array<i32>} : memref<256x34x128xf32, #tpu.memory_space<vmem>>, vector<256x1x128xf32>,
    %get3A_373 = arith.constant 0 : index
    %get3A_374 = arith.constant 25 : index
    %get3A_375 = vector.load %arg1[%get3A_373, %get3A_374] : memref<256x34xi32, #tpu.memory_space<vmem>>, vector<256x1xi32>
    %eq3A_376 = vector.broadcast %get3A_375 : vector<256x1xi32> to vector<256x1000xi32>
    %eq3A_377 = arith.cmpi eq, %eq3A_376, %iota3A : vector<256x1000xi32>
    %convert_element_type3A_378 = arith.extui %eq3A_377 : vector<256x1000xi1> to vector<256x1000xi32>
    %convert_element_type3A_379 = arith.sitofp %convert_element_type3A_378 : vector<256x1000xi32> to vector<256x1000xf32>
    %convert_element_type3A_380 = arith.truncf %convert_element_type3A_379 : vector<256x1000xf32> to vector<256x1000xbf16>
    %dot_general3A_381 = arith.constant dense<0.000000e+00> : vector<256x128xf32>
    %dot_general3A_382 = tpu.matmul %convert_element_type3A_380, %convert_element_type3A, %dot_general3A_381 {dimension_numbers = #tpu.dot_dimension_numbers<[1], [0], [0], [1], [0, 0, 1, 1], [], []>, transpose_lhs_hint = false} : vector<256x1000xbf16>, vector<1000x128xbf16>, vector<256x128xf32> -> vector<256x128xf32>
    %broadcast_in_dim3A_383 = vector.shape_cast %dot_general3A_382 : vector<256x128xf32> to vector<256x1x128xf32>
    %swap3A_384 = arith.constant 0 : index
    %swap3A_385 = arith.constant 25 : index
    %swap3A_386 = arith.constant 0 : index
    %swap3A_387 = vector.load %arg3[%swap3A_384, %swap3A_385, %swap3A_386] : memref<256x34x128xf32, #tpu.memory_space<vmem>>, vector<256x1x128xf32>
    tpu.vector_store %arg3[%swap3A_384, %swap3A_385, %swap3A_386], %broadcast_in_dim3A_383 {strides = array<i32>} : memref<256x34x128xf32, #tpu.memory_space<vmem>>, vector<256x1x128xf32>,
    %get3A_388 = arith.constant 0 : index
    %get3A_389 = arith.constant 26 : index
    %get3A_390 = vector.load %arg1[%get3A_388, %get3A_389] : memref<256x34xi32, #tpu.memory_space<vmem>>, vector<256x1xi32>
    %eq3A_391 = vector.broadcast %get3A_390 : vector<256x1xi32> to vector<256x1000xi32>
    %eq3A_392 = arith.cmpi eq, %eq3A_391, %iota3A : vector<256x1000xi32>
    %convert_element_type3A_393 = arith.extui %eq3A_392 : vector<256x1000xi1> to vector<256x1000xi32>
    %convert_element_type3A_394 = arith.sitofp %convert_element_type3A_393 : vector<256x1000xi32> to vector<256x1000xf32>
    %convert_element_type3A_395 = arith.truncf %convert_element_type3A_394 : vector<256x1000xf32> to vector<256x1000xbf16>
    %dot_general3A_396 = arith.constant dense<0.000000e+00> : vector<256x128xf32>
    %dot_general3A_397 = tpu.matmul %convert_element_type3A_395, %convert_element_type3A, %dot_general3A_396 {dimension_numbers = #tpu.dot_dimension_numbers<[1], [0], [0], [1], [0, 0, 1, 1], [], []>, transpose_lhs_hint = false} : vector<256x1000xbf16>, vector<1000x128xbf16>, vector<256x128xf32> -> vector<256x128xf32>
    %broadcast_in_dim3A_398 = vector.shape_cast %dot_general3A_397 : vector<256x128xf32> to vector<256x1x128xf32>
    %swap3A_399 = arith.constant 0 : index
    %swap3A_400 = arith.constant 26 : index
    %swap3A_401 = arith.constant 0 : index
    %swap3A_402 = vector.load %arg3[%swap3A_399, %swap3A_400, %swap3A_401] : memref<256x34x128xf32, #tpu.memory_space<vmem>>, vector<256x1x128xf32>
    tpu.vector_store %arg3[%swap3A_399, %swap3A_400, %swap3A_401], %broadcast_in_dim3A_398 {strides = array<i32>} : memref<256x34x128xf32, #tpu.memory_space<vmem>>, vector<256x1x128xf32>,
    %get3A_403 = arith.constant 0 : index
    %get3A_404 = arith.constant 27 : index
    %get3A_405 = vector.load %arg1[%get3A_403, %get3A_404] : memref<256x34xi32, #tpu.memory_space<vmem>>, vector<256x1xi32>
    %eq3A_406 = vector.broadcast %get3A_405 : vector<256x1xi32> to vector<256x1000xi32>
    %eq3A_407 = arith.cmpi eq, %eq3A_406, %iota3A : vector<256x1000xi32>
    %convert_element_type3A_408 = arith.extui %eq3A_407 : vector<256x1000xi1> to vector<256x1000xi32>
    %convert_element_type3A_409 = arith.sitofp %convert_element_type3A_408 : vector<256x1000xi32> to vector<256x1000xf32>
    %convert_element_type3A_410 = arith.truncf %convert_element_type3A_409 : vector<256x1000xf32> to vector<256x1000xbf16>
    %dot_general3A_411 = arith.constant dense<0.000000e+00> : vector<256x128xf32>
    %dot_general3A_412 = tpu.matmul %convert_element_type3A_410, %convert_element_type3A, %dot_general3A_411 {dimension_numbers = #tpu.dot_dimension_numbers<[1], [0], [0], [1], [0, 0, 1, 1], [], []>, transpose_lhs_hint = false} : vector<256x1000xbf16>, vector<1000x128xbf16>, vector<256x128xf32> -> vector<256x128xf32>
    %broadcast_in_dim3A_413 = vector.shape_cast %dot_general3A_412 : vector<256x128xf32> to vector<256x1x128xf32>
    %swap3A_414 = arith.constant 0 : index
    %swap3A_415 = arith.constant 27 : index
    %swap3A_416 = arith.constant 0 : index
    %swap3A_417 = vector.load %arg3[%swap3A_414, %swap3A_415, %swap3A_416] : memref<256x34x128xf32, #tpu.memory_space<vmem>>, vector<256x1x128xf32>
    tpu.vector_store %arg3[%swap3A_414, %swap3A_415, %swap3A_416], %broadcast_in_dim3A_413 {strides = array<i32>} : memref<256x34x128xf32, #tpu.memory_space<vmem>>, vector<256x1x128xf32>,
    %get3A_418 = arith.constant 0 : index
    %get3A_419 = arith.constant 28 : index
    %get3A_420 = vector.load %arg1[%get3A_418, %get3A_419] : memref<256x34xi32, #tpu.memory_space<vmem>>, vector<256x1xi32>
    %eq3A_421 = vector.broadcast %get3A_420 : vector<256x1xi32> to vector<256x1000xi32>
    %eq3A_422 = arith.cmpi eq, %eq3A_421, %iota3A : vector<256x1000xi32>
    %convert_element_type3A_423 = arith.extui %eq3A_422 : vector<256x1000xi1> to vector<256x1000xi32>
    %convert_element_type3A_424 = arith.sitofp %convert_element_type3A_423 : vector<256x1000xi32> to vector<256x1000xf32>
    %convert_element_type3A_425 = arith.truncf %convert_element_type3A_424 : vector<256x1000xf32> to vector<256x1000xbf16>
    %dot_general3A_426 = arith.constant dense<0.000000e+00> : vector<256x128xf32>
    %dot_general3A_427 = tpu.matmul %convert_element_type3A_425, %convert_element_type3A, %dot_general3A_426 {dimension_numbers = #tpu.dot_dimension_numbers<[1], [0], [0], [1], [0, 0, 1, 1], [], []>, transpose_lhs_hint = false} : vector<256x1000xbf16>, vector<1000x128xbf16>, vector<256x128xf32> -> vector<256x128xf32>
    %broadcast_in_dim3A_428 = vector.shape_cast %dot_general3A_427 : vector<256x128xf32> to vector<256x1x128xf32>
    %swap3A_429 = arith.constant 0 : index
    %swap3A_430 = arith.constant 28 : index
    %swap3A_431 = arith.constant 0 : index
    %swap3A_432 = vector.load %arg3[%swap3A_429, %swap3A_430, %swap3A_431] : memref<256x34x128xf32, #tpu.memory_space<vmem>>, vector<256x1x128xf32>
    tpu.vector_store %arg3[%swap3A_429, %swap3A_430, %swap3A_431], %broadcast_in_dim3A_428 {strides = array<i32>} : memref<256x34x128xf32, #tpu.memory_space<vmem>>, vector<256x1x128xf32>,
    %get3A_433 = arith.constant 0 : index
    %get3A_434 = arith.constant 29 : index
    %get3A_435 = vector.load %arg1[%get3A_433, %get3A_434] : memref<256x34xi32, #tpu.memory_space<vmem>>, vector<256x1xi32>
    %eq3A_436 = vector.broadcast %get3A_435 : vector<256x1xi32> to vector<256x1000xi32>
    %eq3A_437 = arith.cmpi eq, %eq3A_436, %iota3A : vector<256x1000xi32>
    %convert_element_type3A_438 = arith.extui %eq3A_437 : vector<256x1000xi1> to vector<256x1000xi32>
    %convert_element_type3A_439 = arith.sitofp %convert_element_type3A_438 : vector<256x1000xi32> to vector<256x1000xf32>
    %convert_element_type3A_440 = arith.truncf %convert_element_type3A_439 : vector<256x1000xf32> to vector<256x1000xbf16>
    %dot_general3A_441 = arith.constant dense<0.000000e+00> : vector<256x128xf32>
    %dot_general3A_442 = tpu.matmul %convert_element_type3A_440, %convert_element_type3A, %dot_general3A_441 {dimension_numbers = #tpu.dot_dimension_numbers<[1], [0], [0], [1], [0, 0, 1, 1], [], []>, transpose_lhs_hint = false} : vector<256x1000xbf16>, vector<1000x128xbf16>, vector<256x128xf32> -> vector<256x128xf32>
    %broadcast_in_dim3A_443 = vector.shape_cast %dot_general3A_442 : vector<256x128xf32> to vector<256x1x128xf32>
    %swap3A_444 = arith.constant 0 : index
    %swap3A_445 = arith.constant 29 : index
    %swap3A_446 = arith.constant 0 : index
    %swap3A_447 = vector.load %arg3[%swap3A_444, %swap3A_445, %swap3A_446] : memref<256x34x128xf32, #tpu.memory_space<vmem>>, vector<256x1x128xf32>
    tpu.vector_store %arg3[%swap3A_444, %swap3A_445, %swap3A_446], %broadcast_in_dim3A_443 {strides = array<i32>} : memref<256x34x128xf32, #tpu.memory_space<vmem>>, vector<256x1x128xf32>,
    %get3A_448 = arith.constant 0 : index
    %get3A_449 = arith.constant 30 : index
    %get3A_450 = vector.load %arg1[%get3A_448, %get3A_449] : memref<256x34xi32, #tpu.memory_space<vmem>>, vector<256x1xi32>
    %eq3A_451 = vector.broadcast %get3A_450 : vector<256x1xi32> to vector<256x1000xi32>
    %eq3A_452 = arith.cmpi eq, %eq3A_451, %iota3A : vector<256x1000xi32>
    %convert_element_type3A_453 = arith.extui %eq3A_452 : vector<256x1000xi1> to vector<256x1000xi32>
    %convert_element_type3A_454 = arith.sitofp %convert_element_type3A_453 : vector<256x1000xi32> to vector<256x1000xf32>
    %convert_element_type3A_455 = arith.truncf %convert_element_type3A_454 : vector<256x1000xf32> to vector<256x1000xbf16>
    %dot_general3A_456 = arith.constant dense<0.000000e+00> : vector<256x128xf32>
    %dot_general3A_457 = tpu.matmul %convert_element_type3A_455, %convert_element_type3A, %dot_general3A_456 {dimension_numbers = #tpu.dot_dimension_numbers<[1], [0], [0], [1], [0, 0, 1, 1], [], []>, transpose_lhs_hint = false} : vector<256x1000xbf16>, vector<1000x128xbf16>, vector<256x128xf32> -> vector<256x128xf32>
    %broadcast_in_dim3A_458 = vector.shape_cast %dot_general3A_457 : vector<256x128xf32> to vector<256x1x128xf32>
    %swap3A_459 = arith.constant 0 : index
    %swap3A_460 = arith.constant 30 : index
    %swap3A_461 = arith.constant 0 : index
    %swap3A_462 = vector.load %arg3[%swap3A_459, %swap3A_460, %swap3A_461] : memref<256x34x128xf32, #tpu.memory_space<vmem>>, vector<256x1x128xf32>
    tpu.vector_store %arg3[%swap3A_459, %swap3A_460, %swap3A_461], %broadcast_in_dim3A_458 {strides = array<i32>} : memref<256x34x128xf32, #tpu.memory_space<vmem>>, vector<256x1x128xf32>,
    %get3A_463 = arith.constant 0 : index
    %get3A_464 = arith.constant 31 : index
    %get3A_465 = vector.load %arg1[%get3A_463, %get3A_464] : memref<256x34xi32, #tpu.memory_space<vmem>>, vector<256x1xi32>
    %eq3A_466 = vector.broadcast %get3A_465 : vector<256x1xi32> to vector<256x1000xi32>
    %eq3A_467 = arith.cmpi eq, %eq3A_466, %iota3A : vector<256x1000xi32>
    %convert_element_type3A_468 = arith.extui %eq3A_467 : vector<256x1000xi1> to vector<256x1000xi32>
    %convert_element_type3A_469 = arith.sitofp %convert_element_type3A_468 : vector<256x1000xi32> to vector<256x1000xf32>
    %convert_element_type3A_470 = arith.truncf %convert_element_type3A_469 : vector<256x1000xf32> to vector<256x1000xbf16>
    %dot_general3A_471 = arith.constant dense<0.000000e+00> : vector<256x128xf32>
    %dot_general3A_472 = tpu.matmul %convert_element_type3A_470, %convert_element_type3A, %dot_general3A_471 {dimension_numbers = #tpu.dot_dimension_numbers<[1], [0], [0], [1], [0, 0, 1, 1], [], []>, transpose_lhs_hint = false} : vector<256x1000xbf16>, vector<1000x128xbf16>, vector<256x128xf32> -> vector<256x128xf32>
    %broadcast_in_dim3A_473 = vector.shape_cast %dot_general3A_472 : vector<256x128xf32> to vector<256x1x128xf32>
    %swap3A_474 = arith.constant 0 : index
    %swap3A_475 = arith.constant 31 : index
    %swap3A_476 = arith.constant 0 : index
    %swap3A_477 = vector.load %arg3[%swap3A_474, %swap3A_475, %swap3A_476] : memref<256x34x128xf32, #tpu.memory_space<vmem>>, vector<256x1x128xf32>
    tpu.vector_store %arg3[%swap3A_474, %swap3A_475, %swap3A_476], %broadcast_in_dim3A_473 {strides = array<i32>} : memref<256x34x128xf32, #tpu.memory_space<vmem>>, vector<256x1x128xf32>,
    %get3A_478 = arith.constant 0 : index
    %get3A_479 = arith.constant 32 : index
    %get3A_480 = vector.load %arg1[%get3A_478, %get3A_479] : memref<256x34xi32, #tpu.memory_space<vmem>>, vector<256x1xi32>
    %eq3A_481 = vector.broadcast %get3A_480 : vector<256x1xi32> to vector<256x1000xi32>
    %eq3A_482 = arith.cmpi eq, %eq3A_481, %iota3A : vector<256x1000xi32>
    %convert_element_type3A_483 = arith.extui %eq3A_482 : vector<256x1000xi1> to vector<256x1000xi32>
    %convert_element_type3A_484 = arith.sitofp %convert_element_type3A_483 : vector<256x1000xi32> to vector<256x1000xf32>
    %convert_element_type3A_485 = arith.truncf %convert_element_type3A_484 : vector<256x1000xf32> to vector<256x1000xbf16>
    %dot_general3A_486 = arith.constant dense<0.000000e+00> : vector<256x128xf32>
    %dot_general3A_487 = tpu.matmul %convert_element_type3A_485, %convert_element_type3A, %dot_general3A_486 {dimension_numbers = #tpu.dot_dimension_numbers<[1], [0], [0], [1], [0, 0, 1, 1], [], []>, transpose_lhs_hint = false} : vector<256x1000xbf16>, vector<1000x128xbf16>, vector<256x128xf32> -> vector<256x128xf32>
    %broadcast_in_dim3A_488 = vector.shape_cast %dot_general3A_487 : vector<256x128xf32> to vector<256x1x128xf32>
    %swap3A_489 = arith.constant 0 : index
    %swap3A_490 = arith.constant 32 : index
    %swap3A_491 = arith.constant 0 : index
    %swap3A_492 = vector.load %arg3[%swap3A_489, %swap3A_490, %swap3A_491] : memref<256x34x128xf32, #tpu.memory_space<vmem>>, vector<256x1x128xf32>
    tpu.vector_store %arg3[%swap3A_489, %swap3A_490, %swap3A_491], %broadcast_in_dim3A_488 {strides = array<i32>} : memref<256x34x128xf32, #tpu.memory_space<vmem>>, vector<256x1x128xf32>,
    %get3A_493 = arith.constant 0 : index
    %get3A_494 = arith.constant 33 : index
    %get3A_495 = vector.load %arg1[%get3A_493, %get3A_494] : memref<256x34xi32, #tpu.memory_space<vmem>>, vector<256x1xi32>
    %eq3A_496 = vector.broadcast %get3A_495 : vector<256x1xi32> to vector<256x1000xi32>
    %eq3A_497 = arith.cmpi eq, %eq3A_496, %iota3A : vector<256x1000xi32>
    %convert_element_type3A_498 = arith.extui %eq3A_497 : vector<256x1000xi1> to vector<256x1000xi32>
    %convert_element_type3A_499 = arith.sitofp %convert_element_type3A_498 : vector<256x1000xi32> to vector<256x1000xf32>
    %convert_element_type3A_500 = arith.truncf %convert_element_type3A_499 : vector<256x1000xf32> to vector<256x1000xbf16>
    %dot_general3A_501 = arith.constant dense<0.000000e+00> : vector<256x128xf32>
    %dot_general3A_502 = tpu.matmul %convert_element_type3A_500, %convert_element_type3A, %dot_general3A_501 {dimension_numbers = #tpu.dot_dimension_numbers<[1], [0], [0], [1], [0, 0, 1, 1], [], []>, transpose_lhs_hint = false} : vector<256x1000xbf16>, vector<1000x128xbf16>, vector<256x128xf32> -> vector<256x128xf32>
    %broadcast_in_dim3A_503 = vector.shape_cast %dot_general3A_502 : vector<256x128xf32> to vector<256x1x128xf32>
    %swap3A_504 = arith.constant 0 : index
    %swap3A_505 = arith.constant 33 : index
    %swap3A_506 = arith.constant 0 : index
    %swap3A_507 = vector.load %arg3[%swap3A_504, %swap3A_505, %swap3A_506] : memref<256x34x128xf32, #tpu.memory_space<vmem>>, vector<256x1x128xf32>
    tpu.vector_store %arg3[%swap3A_504, %swap3A_505, %swap3A_506], %broadcast_in_dim3A_503 {strides = array<i32>} : memref<256x34x128xf32, #tpu.memory_space<vmem>>, vector<256x1x128xf32>,
    return
  }
  func.func @transform_0(%arg0: i32) -> (i32, i32) {
    %c0_i32 = arith.constant 0 : i32
    %c0_i32_0 = arith.constant 0 : i32
    return %arg0, %c0_i32 : i32, i32
  }
  func.func @transform_1(%arg0: i32) -> (i32, i32) {
    %c0_i32 = arith.constant 0 : i32
    %c0_i32_0 = arith.constant 0 : i32
    %c0_i32_1 = arith.constant 0 : i32
    return %c0_i32, %c0_i32_0 : i32, i32
  }
  func.func @transform_2(%arg0: i32) -> (i32, i32, i32) {
    %c0_i32 = arith.constant 0 : i32
    %c0_i32_0 = arith.constant 0 : i32
    %c0_i32_1 = arith.constant 0 : i32
    return %arg0, %c0_i32, %c0_i32_0 : i32, i32, i32
  }
}

</mosaic_0001>

<sc_bundles>
// kernel: kernel.5.cloned.1.call-start
scs
__scs_entry_jumppad:
0x0: {  	(pc) =	sbr.rel $0x88, $3  }
0x1: {  	(tag) =	ssettag $0x0;
	lr =	simm.s32 $0x1  }
0x2: {  	[smem:$0x3F9D] =	sst lr;
	_ =	strace $0xD0000000  }
0x3: {  	_ = 	snop  }
0x4: {  	_ = 	snop  }
0x5: {  	_ = 	snop  }
0x6: {  	_ = 	snop  }
0x7: {  	_ = 	snop  }
__scs_overlays_trampoline_lowered:
0x8: {  	[smem:$0x3FAC] =	sst s0  }
0x9: {  	[smem:$0x3FAD] =	sst s1  }
0xa: {  	[smem:$0x3FAE] =	sst s2  }
0xb: {  	[smem:$0x3FAF] =	sst s3  }
0xc: {  	[smem:$0x3FB0] =	sst s4  }
0xd: {  	[smem:$0x3FB1] =	sst s5  }
0xe: {  	[smem:$0x3FB2] =	sst s6  }
0xf: {  	[smem:$0x3FB3] =	sst s7  }
0x10: {  	[smem:$0x3FB4] =	sst s8  }
0x11: {  	[smem:$0x3FB5] =	sst s9;
	s0 =	simm.s32 @!p0 $0x0  }
0x12: {  	s1 =	sld [smem:$0x3F9B];
	s0 =	simm.s32 @p0 $0x1  }
0x13: {  	[smem:$0x3FB6] =	sst s0;
	s0 =	simm.s32 @!p1 $0x0  }
0x14: {  	s2 =	sld [smem:$0x3F9A];
	s0 =	simm.s32 @p1 $0x1  }
0x15: {  	[smem:$0x3FB7] =	sst s0;
	s0 =	simm.s32 @!p2 $0x0  }
0x16: {  	s3 =	sld [smem:$0x3FDB];
	s0 =	simm.s32 @p2 $0x1  }
0x17: {  	s4 =	simm.s32 $0x1BF5;
	[smem:$0x3FB9] =	sst s0  }
0x18: {  	s0 =	sld [smem:$0x3F9C];
	_ =	swait.ge [sflag:s4], $0x0  }
0x19: {  	s7 =	sld [smem:$0x3F9D]  }
0x1a: {  	s8 =	sadd.s32 $0xFFFFE003, lr  }
0x1b: {  	s9 =	sadd.s32 $0xFFFFFEF7, lr;
	s5 =	simm.s32 $0xFFFFFFFF;
	p2 =	slt.u32 s8, $0xFFFFF086  }
0x1c: {  	p1 =	slt.u32 s9, $0xF7A;
	s5 =	simm.s32 @!p2 $0x0  }
0x1d: {  	s5 =	simm.s32 @p1 $0x1;
	p0 =	seq.s32 s7, s2  }
0x1e: {  	s7 =	smul.u32 @!p0 $0xF7A, s2;
	p2 =	seq.s32 @!p0 s5, $0x0  }
0x1f: {  	s9 =	smul.u32 $0xF7A, s1;
	s8 =	simm.s32 @!p0 $0x1BF5;
	p2 =	por !p2, p0  }
0x20: {  	[sflag:s8] =	ssyncset.s32 @!p0 $0xFFFFF086;
	s6 =	sadd.s32 @!p0 s3, s7;
	s7 =	simm.s32 @!p0 $0x108  }
0x21: {  	s3 =	sadd.s32 s3, s9;
	s6 =	sadd.s32 @!p0 $0x88, s6;
	s7 =	simm.s32 @p2 $0x1082  }
0x22: {  	[simem:s7], [sflag:s8] =	dma.local @!p0 [hbm:s6], $0xF7A  }
0x23: {  	s9 =	sor.u32 $0xD0000000, s2;
	s6 =	simm.s32 $0x108;
	_ =	swait.ge @!p0 [sflag:s8], $0x0  }
0x24: {  	s3 =	sadd.s32 $0x88, s3;
	s6 =	simm.s32 @!p1 $0x1082;
	[sflag:s4] =	ssyncset.s32 $0xFFFFF086  }
0x25: {  	[simem:s6], [sflag:s4] =	dma.local [hbm:s3], $0xF7A  }
0x26: {  	[smem:$0x3F9D] =	sst s1;
	(tag) =	ssettag s2;
	_ =	strace s9  }
0x27: {  	s1 =	sld [smem:$0x3FAD]  }
0x28: {  	s2 =	sld [smem:$0x3FAE]  }
0x29: {  	s4 =	sld [smem:$0x3FB0]  }
0x2a: {  	p0 =	seq.s32 s5, $0x0;
	s5 =	sld [smem:$0x3FB1]  }
0x2b: {  	s6 =	sld [smem:$0x3FB2]  }
0x2c: {  	s7 =	sld [smem:$0x3FB3]  }
0x2d: {  	s3 =	simm.s32 $0x108;
	s8 =	sld [smem:$0x3FB4]  }
0x2e: {  	s3 =	simm.s32 @!p0 $0x1082;
	s9 =	sld [smem:$0x3FB5]  }
0x2f: {  	lr =	sadd.s32 s0, s3;
	s0 =	sld [smem:$0x3FAC]  }
0x30: {  	s3 =	sld [smem:$0x3FAF]  }
0x31: {  	[smem:$0x3FB8] =	sst s10  }
0x32: {  	s10 =	sld [smem:$0x3FB6];
	_ =	sdelay $0x3  }
0x33: {  	p0 =	seq.s32 s10, $0x1;
	s10 =	sld [smem:$0x3FB8];
	_ =	sdelay $0x3  }
0x34: {  	[smem:$0x3FB8] =	sst s10  }
0x35: {  	s10 =	sld [smem:$0x3FB7];
	_ =	sdelay $0x3  }
0x36: {  	p1 =	seq.s32 s10, $0x1;
	s10 =	sld [smem:$0x3FB8];
	_ =	sdelay $0x3  }
0x37: {  	[smem:$0x3FB8] =	sst s10  }
0x38: {  	s10 =	sld [smem:$0x3FB9]  }
0x39: {  	_ = 	snop;
	(pc) =	sbr.ind lr, $3  }
0x3a: {  	_ = 	snop  }
0x3b: {  	_ = 	snop  }
0x3c: {  	p2 =	seq.s32 s10, $0x1;
	s10 =	sld [smem:$0x3FB8]  }
0x3d: {  	_ =	shalt  }
0x3e: {  	_ =	shalt  }
0x3f: {  	_ =	shalt  }
0x40: {  	_ =	shalt  }
0x41: {  	_ =	shalt  }
0x42: {  	_ =	shalt  }
0x43: {  	_ =	shalt  }
0x44: {  	_ =	shalt  }
0x45: {  	_ =	shalt  }
0x46: {  	_ =	shalt  }
0x47: {  	_ =	shalt  }
0x48: {  	_ =	shalt  }
0x49: {  	_ =	shalt  }
0x4a: {  	_ =	shalt  }
0x4b: {  	_ =	shalt  }
0x4c: {  	_ =	shalt  }
0x4d: {  	_ =	shalt  }
0x4e: {  	_ =	shalt  }
0x4f: {  	_ =	shalt  }
0x50: {  	_ =	shalt  }
0x51: {  	_ =	shalt  }
0x52: {  	_ =	shalt  }
0x53: {  	_ =	shalt  }
0x54: {  	_ =	shalt  }
0x55: {  	_ =	shalt  }
0x56: {  	_ =	shalt  }
0x57: {  	_ =	shalt  }
0x58: {  	_ =	shalt  }
0x59: {  	_ =	shalt  }
0x5a: {  	_ =	shalt  }
0x5b: {  	_ =	shalt  }
0x5c: {  	_ =	shalt  }
0x5d: {  	_ =	shalt  }
0x5e: {  	_ =	shalt  }
0x5f: {  	_ =	shalt  }
0x60: {  	_ =	shalt  }
0x61: {  	_ =	shalt  }
0x62: {  	_ =	shalt  }
0x63: {  	_ =	shalt  }
0x64: {  	_ =	shalt  }
0x65: {  	_ =	shalt  }
0x66: {  	_ =	shalt  }
0x67: {  	_ =	shalt  }
0x68: {  	_ =	shalt  }
0x69: {  	_ =	shalt  }
0x6a: {  	_ =	shalt  }
0x6b: {  	_ =	shalt  }
0x6c: {  	_ =	shalt  }
0x6d: {  	_ =	shalt  }
0x6e: {  	_ =	shalt  }
0x6f: {  	_ =	shalt  }
0x70: {  	_ =	shalt  }
0x71: {  	_ =	shalt  }
0x72: {  	_ =	shalt  }
0x73: {  	_ =	shalt  }
0x74: {  	_ =	shalt  }
0x75: {  	_ =	shalt  }
0x76: {  	_ =	shalt  }
0x77: {  	_ =	shalt  }
0x78: {  	_ =	shalt  }
0x79: {  	_ =	shalt  }
0x7a: {  	_ =	shalt  }
0x7b: {  	_ =	shalt  }
0x7c: {  	_ =	shalt  }
0x7d: {  	_ =	shalt  }
0x7e: {  	_ =	shalt  }
0x7f: {  	_ =	shalt  }
0x80: {  	_ =	shalt  }
0x81: {  	_ =	shalt  }
0x82: {  	_ =	shalt  }
0x83: {  	_ =	shalt  }
0x84: {  	_ =	shalt  }
0x85: {  	_ =	shalt  }
0x86: {  	_ =	shalt  }
0x87: {  	_ =	shalt  }
.Lfunc_end0:
.L_simem_size_0:
called_computation_lowered:
.L_overlay_start_0:
0x88: {  	s2 =	sld [smem:$0x3FD9]  }
0x89: {  	s3 =	sld [smem:$0x3FFE];
	_ =	sdelay $0x1  }
0x8a: {  	s1 =	srdreg.scid  }
0x8b: {  	s0 =	sand.u32 $0x1, s1  }
0x8c: {  	s17 =	sshll.u32 s0, $0xA;
	s2 =	sadd.s32 s3, s2  }
0x8d: {  	s2 =	sadd.s32 s2, s17  }
0x8e: {  	[smem:$0x3FC4] =	sst s2  }
0x8f: {  	_ = 	snop  }
0x90: {  	s2 =	sld [smem:$0x3FC7];
	(tm) =	ssettm $0x1  }
0x91: {  	s18 =	sld [smem:$0x3FFB];
	_ =	sdelay $0x3  }
0x92: {  	_ =	strace s18  }
0x93: {  	s3 =	sld [smem:$0x3FFC];
	_ =	sdelay $0x3  }
0x94: {  	_ =	strace s3  }
0x95: {  	s3 =	sld [smem:$0x3FFD];
	_ =	sdelay $0x3  }
0x96: {  	_ =	strace s3  }
0x97: {  	_ =	strace $0x8FFFFFFF  }
0x98: {  	s19 =	sld [smem:$0x3FDB];
	_ =	sdelay $0x1  }
0x99: {  	s4 =	simm.s32 $_scs_section_size  }
0x9a: {  	s5 =	simm.s32 $_size__tile_overlayer_lowered;
	s6 =	simm.s32 $_tile_overlayer_lowered  }
0x9b: {  	s22 =	simm.s32 $0x1BFF;
	s21 =	sshll.u32 s6, $0x1;
	s3 =	sadd.s32 s4, s19  }
0x9c: {  	s7 =	simm.s32 $0x0;
	s20 =	sshll.u32 s5, $0x1;
	s5 =	sadd.s32 s21, s3  }
0x9d: {  	[timem:s7], [sflag:s22] =	dma.local [hbm:s5], s20  }
0x9e: {  	_ =	swait.ge [sflag:s22], s20  }
0x9f: {  	s4 =	ssub.s32 $0x0, s20;
	[sflag:s22] =	ssyncset.done $0x0  }
0xa0: {  	[sflag:s22] =	ssyncadd.s32 s4;
	_ =	sdelay $0x1  }
0xa1: {  	s23 =	simm.s32 $0x1B8B  }
0xa2: {  	_ =	swait.ge [sflag:s23], $0x1  }
0xa3: {  	[sflag:s23] =	ssyncset.done $0x0  }
0xa4: {  	s25 =	simm.s32 $0x1B8E;
	s24 =	sld [smem:$0x3FFE];
	[sflag:s23] =	ssyncadd.s32 $0xFFFFFFFF  }
0xa5: {  	s26 =	simm.s32 $execute0_lowered;
	[smem:$0x3FD2] =	sst s25  }
0xa6: {  	s5 =	sshll.u32 s26, $0x1;
	_ =	strace $0x80000046;
	[dreg:$0x1] =	wrdreg $0xFFFFFFFF  }
0xa7: {  	s28 =	simm.s32 $_size_execute0_lowered;
	s3 =	sadd.s32 s3, s5;
	[dreg:$0x0] =	wrdreg $0x0  }
0xa8: {  	s5 =	sshll.u32 s28, $0x1;
	[dreg:$0x2] =	wrdreg s3  }
0xa9: {  	[dreg:$0x3] =	wrdreg s5  }
0xaa: {  	[dreg:$0x4] =	wrdreg $0xC0  }
0xab: {  	_ =	task [dreg:s7], $0x5FFFF  }
0xac: {  	[dreg:$0x1] =	wrdreg $0xFFFFFFFF  }
0xad: {  	[dreg:$0x0] =	wrdreg $0x60  }
0xae: {  	[dreg:$0x2] =	wrdreg s2  }
0xaf: {  	[dreg:$0x3] =	wrdreg s24  }
0xb0: {  	[dreg:$0x4] =	wrdreg $0x9  }
0xb1: {  	_ =	task.clear_ibuf [dreg:s7], $0x5FFFF;
	_ =	strace $0x90000046  }
0xb2: {  	s29 =	simm.s32 $0x9;
	_ =	strace $0x80000048  }
0xb3: {  	_ =	swait.ge [sflag:s29], $0x1  }
0xb4: {  	[sflag:s29] =	ssyncadd.s32 $0xFFFFFFFF  }
0xb5: {  	_ =	strace $0x90000048  }
0xb6: {  	_ =	sfence  }
0xb7: {  	s30 =	sld [smem:$0x0];
	_ =	sdelay $0x2  }
0xb8: {  	s31 =	sshll.u32 s1, $0xD;
	s1 =	sshrl.u32 s1, $0x2  }
0xb9: {  	s3 =	sand.u32 $0x4000, s31;
	s1 =	sadd.s32 s1, s30  }
0xba: {  	s0 =	sor.u32 s3, s0;
	s1 =	sshll.u32 s1, $0x11  }
0xbb: {  	s0 =	sor.u32 s1, s0  }
0xbc: {  	s0 =	sadd.s32 $0x8F2B, s0  }
0xbd: {  	[sflag:s0] =	ssyncadd.remote.s32 $0x1  }
0xbe: {  	_ =	sfence.sel $0xFFFF  }
0xbf: {  	[dreg:$0x0] =	wrdreg $0xFFFFFFFF;
	(pc) =	sbr.abs _section_cstart, $3  }
0xc0: {  	[dreg:$0x1] =	wrdreg $0xFFFFFFFF  }
0xc1: {  	_ =	task.clear_ibuf [dreg:s7], $0x2FFFF;
	_ =	strace $0x9FFFFFFF  }
0xc2: {  	(tm) =	ssettm $0x7FFFFFFF  }
0xc3: {  	_ =	shalt  }
tec
execute0_lowered:
.L_overlay_start_1:
0x0: {  	(tag) =	ssettag $0x1  }
0x1: {  	s1 =	rddreg [dreg:$0x0]  }
0x2: {  	s0 =	rddreg [dreg:$0x1];
	s3 =	simm.s32 $0x0;
	s2 =	srdreg.scid  }
0x3: {  	s6 =	stileid.u32;
	s8 =	simm.s32 $0x32;
	s9 =	simm.s32 $0x10000  }
0x4: {  	s11 =	simm.s32 $0x11C00;
	s13 =	simm.s32 $0x13800;
	s15 =	simm.s32 $0x15400  }
0x5: {  	s17 =	simm.s32 $0x17000;
	s19 =	simm.s32 $0x18C00;
	s21 =	simm.s32 $0x1A800  }
0x6: {  	s23 =	simm.s32 $0x1C400;
	s28 =	simm.s32 $0x4;
	s29 =	simm.s32 $0x5  }
0x7: {  	s30 =	simm.s32 $0x6;
	s31 =	simm.s32 $0x7;
	s10 =	simm.s32 $0xA  }
0x8: {  	s12 =	simm.s32 $0xB;
	s14 =	simm.s32 $0xC;
	s16 =	simm.s32 $0xD  }
0x9: {  	s18 =	simm.s32 $0xE;
	s20 =	simm.s32 $0xF;
	s22 =	simm.s32 $0x10  }
0xa: {  	[smem:$0x7FF] =	sst s3;
	s2 =	sand.u32 $0x1, s2;
	s4 =	sshll.u32 s6, $0xE  }
0xb: {  	s6 =	smul.u32 $0xE0000, s6;
	_ =	strace $0x80000047;
	s5 =	sshll.u32 s2, $0xD  }
0xc: {  	s24 =	ssub.s32 $0x2, s2;
	s2 =	smul.u32 $0x70000, s2;
	s4 =	sor.u32 s5, s4  }
0xd: {  	s25 =	sshrl.u32 s24, $0x1;
	s4 =	sadd.s32 s4, s0;
	s0 =	sadd.s32 s6, s0  }
.Ltmp0:
0xe: {  	s5 =	ssub.s32 s24, s25;
	s24 =	simm.s32 $0x1;
	(pc) =	sbr.rel .LBB2_1-.Ltmp0, $4  }
0xf: {  	s25 =	simm.s32 $0x2;
	s4 =	sadd.s32 $0xA00, s4;
	s0 =	sadd.s32 s2, s0  }
0x10: {  	s26 =	smax.u32 s5, $0x1;
	s2 =	simm.s32 $0x9;
	[dreg:$0x3] =	wrdreg s4  }
0x11: {  	s5 =	simm.s32 $0x0;
	[dreg:$0x4] =	wrdreg s26;
	s0 =	sadd.s32 $0x40A00, s0  }
0x12: {  	s26 =	simm.s32 $0x3;
	[dreg:$0x5] =	wrdreg s0;
	s0 =	simm.s32 $0x8  }
.LBB2_3:
0x13: {  	_ =	swait.ge [sflag:s10], $0x1900  }
0x14: {  	[sflag:s10] =	ssyncset.done $0x0  }
0x15: {  	[sflag:s10] =	ssyncadd.s32 $0xFFFFE700  }
0x16: {  	_ =	swait.ge [sflag:s12], $0x1900  }
0x17: {  	[sflag:s12] =	ssyncset.done $0x0  }
0x18: {  	[sflag:s12] =	ssyncadd.s32 $0xFFFFE700  }
0x19: {  	_ =	swait.ge [sflag:s14], $0x1900  }
0x1a: {  	[sflag:s14] =	ssyncset.done $0x0  }
0x1b: {  	[sflag:s14] =	ssyncadd.s32 $0xFFFFE700  }
0x1c: {  	_ =	swait.ge [sflag:s16], $0x1900  }
0x1d: {  	[sflag:s16] =	ssyncset.done $0x0  }
0x1e: {  	[sflag:s16] =	ssyncadd.s32 $0xFFFFE700  }
0x1f: {  	_ =	swait.ge [sflag:s18], $0x1900  }
0x20: {  	[sflag:s18] =	ssyncset.done $0x0  }
0x21: {  	[sflag:s18] =	ssyncadd.s32 $0xFFFFE700  }
0x22: {  	_ =	swait.ge [sflag:s20], $0x1900  }
0x23: {  	[sflag:s20] =	ssyncset.done $0x0  }
0x24: {  	[sflag:s20] =	ssyncadd.s32 $0xFFFFE700  }
0x25: {  	_ =	swait.ge [sflag:s22], $0x1900  }
0x26: {  	[sflag:s22] =	ssyncset.done $0x0  }
0x27: {  	[sflag:s22] =	ssyncadd.s32 $0xFFFFE700  }
.LBB2_5:
0x28: {  	s5 =	rddreg [dreg:$0x6]  }
0x29: {  	s4 =	rddreg [dreg:$0x4];
	s5 =	sadd.s32 $0x1, s5  }
0x2a: {  	p0 =	sne.s32 s5, s4  }
.Ltmp1:
0x2b: {  	_ = 	snop;
	(pc) =	sbr.rel @!p0 .LBB2_6-.Ltmp1, $1  }
0x2c: {  	_ =	sdelay $0x3  }
.LBB2_1:
0x2d: {  	[dreg:$0x6] =	wrdreg s5  }
0x2e: {  	s4 =	rddreg [dreg:$0x3];
	s6 =	simm.s32 $0x11  }
0x2f: {  	[tilespmem:s3], [sflag:$0x11] =	stream.linear.gather [hbm4b:s4+s3], $0x10000, $0x38;
	[tilespmem:$0x1E000] =	vst v63  }
0x30: {  	_ =	swait.ge [sflag:s6], $0x10000  }
0x31: {  	[sflag:s6] =	ssyncset.done $0x0  }
0x32: {  	[sflag:s6] =	ssyncadd.s32 $0xFFFF0000  }
0x33: {  	[tilespmem:s9], [sflag:$0x1] =	stream.indirect.gather [hbm4b:s1+s8], $0x80, s3, s8, $0xb8;
	[tilespmem:$0x1E000] =	vst v63  }
0x34: {  	s7 =	simm.s32 $0x80  }
0x35: {  	[tilespmem:s11], [sflag:$0x2] =	stream.indirect.gather [hbm4b:s1+s8], $0x80, s7, s8, $0xb8;
	[tilespmem:$0x1E000] =	vst v63  }
0x36: {  	s5 =	simm.s32 $0x100  }
0x37: {  	[tilespmem:s13], [sflag:$0x3] =	stream.indirect.gather [hbm4b:s1+s8], $0x80, s5, s8, $0xb8;
	[tilespmem:$0x1E000] =	vst v63  }
0x38: {  	s6 =	simm.s32 $0x180  }
0x39: {  	[tilespmem:s15], [sflag:$0x4] =	stream.indirect.gather [hbm4b:s1+s8], $0x80, s6, s8, $0xb8;
	[tilespmem:$0x1E000] =	vst v63  }
0x3a: {  	s7 =	simm.s32 $0x200  }
0x3b: {  	[tilespmem:s17], [sflag:$0x5] =	stream.indirect.gather [hbm4b:s1+s8], $0x80, s7, s8, $0xb8;
	[tilespmem:$0x1E000] =	vst v63  }
0x3c: {  	s5 =	simm.s32 $0x280  }
0x3d: {  	[tilespmem:s19], [sflag:$0x6] =	stream.indirect.gather [hbm4b:s1+s8], $0x80, s5, s8, $0xb8;
	[tilespmem:$0x1E000] =	vst v63  }
0x3e: {  	s6 =	simm.s32 $0x300  }
0x3f: {  	[tilespmem:s21], [sflag:$0x7] =	stream.indirect.gather [hbm4b:s1+s8], $0x80, s6, s8, $0xb8;
	[tilespmem:$0x1E000] =	vst v63  }
0x40: {  	s7 =	simm.s32 $0x380;
	s5 =	simm.s32 $0x0;
	s6 =	rddreg [dreg:$0x5]  }
0x41: {  	[tilespmem:s23], [sflag:$0x8] =	stream.indirect.gather [hbm4b:s1+s8], $0x80, s7, s8, $0xb8;
	[tilespmem:$0x1E000] =	vst v63  }
.LBB2_2:
0x42: {  	_ =	swait.ge [sflag:s24], $0x1900  }
0x43: {  	[sflag:s24] =	ssyncset.done $0x0  }
0x44: {  	[sflag:s24] =	ssyncadd.s32 $0xFFFFE700  }
0x45: {  	[hbm4b:s6+s3] =	stream.linear.scatter [tilespmem:s9], [sflag:$0x9], $0x1900, $0x38;
	[tilespmem:$0x1E000] =	vst v63  }
0x46: {  	_ =	swait.ge [sflag:s25], $0x1900  }
0x47: {  	[sflag:s25] =	ssyncset.done $0x0  }
0x48: {  	s7 =	sadd.s32 $0x380, s6;
	[sflag:s25] =	ssyncadd.s32 $0xFFFFE700  }
0x49: {  	[hbm4b:s7+s3] =	stream.linear.scatter [tilespmem:s11], [sflag:$0xA], $0x1900, $0x38;
	[tilespmem:$0x1E000] =	vst v63  }
0x4a: {  	_ =	swait.ge [sflag:s26], $0x1900  }
0x4b: {  	[sflag:s26] =	ssyncset.done $0x0  }
0x4c: {  	s4 =	sadd.s32 $0x700, s6;
	[sflag:s26] =	ssyncadd.s32 $0xFFFFE700  }
0x4d: {  	[hbm4b:s4+s3] =	stream.linear.scatter [tilespmem:s13], [sflag:$0xB], $0x1900, $0x38;
	[tilespmem:$0x1E000] =	vst v63  }
0x4e: {  	_ =	swait.ge [sflag:s28], $0x1900  }
0x4f: {  	[sflag:s28] =	ssyncset.done $0x0  }
0x50: {  	s4 =	sadd.s32 $0xA80, s6;
	[sflag:s28] =	ssyncadd.s32 $0xFFFFE700  }
0x51: {  	[hbm4b:s4+s3] =	stream.linear.scatter [tilespmem:s15], [sflag:$0xC], $0x1900, $0x38;
	[tilespmem:$0x1E000] =	vst v63  }
0x52: {  	_ =	swait.ge [sflag:s29], $0x1900  }
0x53: {  	[sflag:s29] =	ssyncset.done $0x0  }
0x54: {  	s4 =	sadd.s32 $0xE00, s6;
	[sflag:s29] =	ssyncadd.s32 $0xFFFFE700  }
0x55: {  	[hbm4b:s4+s3] =	stream.linear.scatter [tilespmem:s17], [sflag:$0xD], $0x1900, $0x38;
	[tilespmem:$0x1E000] =	vst v63  }
0x56: {  	_ =	swait.ge [sflag:s30], $0x1900  }
0x57: {  	[sflag:s30] =	ssyncset.done $0x0  }
0x58: {  	s4 =	sadd.s32 $0x1180, s6;
	[sflag:s30] =	ssyncadd.s32 $0xFFFFE700  }
0x59: {  	[hbm4b:s4+s3] =	stream.linear.scatter [tilespmem:s19], [sflag:$0xE], $0x1900, $0x38;
	[tilespmem:$0x1E000] =	vst v63  }
0x5a: {  	_ =	swait.ge [sflag:s31], $0x1900  }
0x5b: {  	[sflag:s31] =	ssyncset.done $0x0  }
0x5c: {  	s4 =	sadd.s32 $0x1500, s6;
	[sflag:s31] =	ssyncadd.s32 $0xFFFFE700  }
0x5d: {  	[hbm4b:s4+s3] =	stream.linear.scatter [tilespmem:s21], [sflag:$0xF], $0x1900, $0x38;
	[tilespmem:$0x1E000] =	vst v63  }
0x5e: {  	_ =	swait.ge [sflag:s0], $0x1900  }
0x5f: {  	p0 =	sne.s32 s5, $0x3F000;
	[sflag:s0] =	ssyncset.done $0x0  }
.Ltmp2:
0x60: {  	s4 =	sadd.s32 $0x1880, s6;
	[sflag:s0] =	ssyncadd.s32 $0xFFFFE700;
	(pc) =	sbr.rel @!p0 .LBB2_3-.Ltmp2, $4  }
0x61: {  	[hbm4b:s4+s3] =	stream.linear.scatter [tilespmem:s23], [sflag:$0x10], $0x1900, $0x38;
	[tilespmem:$0x1E000] =	vst v63  }
0x62: {  	_ =	swait.ge [sflag:s2], $0x1900  }
0x63: {  	[sflag:s2] =	ssyncset.done $0x0  }
0x64: {  	[sflag:s2] =	ssyncadd.s32 $0xFFFFE700  }
0x65: {  	s7 =	sshra.s32 s5, $0x2  }
0x66: {  	s4 =	sadd.s32 $0x400, s7  }
0x67: {  	[tilespmem:s9], [sflag:$0x1] =	stream.indirect.gather [hbm4b:s1+s8], $0x80, s4, s8, $0xb8;
	[tilespmem:$0x1E000] =	vst v63  }
0x68: {  	_ =	swait.ge [sflag:s10], $0x1900  }
0x69: {  	[sflag:s10] =	ssyncset.done $0x0  }
0x6a: {  	s4 =	sadd.s32 $0x480, s7;
	[sflag:s10] =	ssyncadd.s32 $0xFFFFE700  }
0x6b: {  	[tilespmem:s11], [sflag:$0x2] =	stream.indirect.gather [hbm4b:s1+s8], $0x80, s4, s8, $0xb8;
	[tilespmem:$0x1E000] =	vst v63  }
0x6c: {  	_ =	swait.ge [sflag:s12], $0x1900  }
0x6d: {  	[sflag:s12] =	ssyncset.done $0x0  }
0x6e: {  	s4 =	sadd.s32 $0x500, s7;
	[sflag:s12] =	ssyncadd.s32 $0xFFFFE700  }
0x6f: {  	[tilespmem:s13], [sflag:$0x3] =	stream.indirect.gather [hbm4b:s1+s8], $0x80, s4, s8, $0xb8;
	[tilespmem:$0x1E000] =	vst v63  }
0x70: {  	_ =	swait.ge [sflag:s14], $0x1900  }
0x71: {  	[sflag:s14] =	ssyncset.done $0x0  }
0x72: {  	s4 =	sadd.s32 $0x580, s7;
	[sflag:s14] =	ssyncadd.s32 $0xFFFFE700  }
0x73: {  	[tilespmem:s15], [sflag:$0x4] =	stream.indirect.gather [hbm4b:s1+s8], $0x80, s4, s8, $0xb8;
	[tilespmem:$0x1E000] =	vst v63  }
0x74: {  	_ =	swait.ge [sflag:s16], $0x1900  }
0x75: {  	[sflag:s16] =	ssyncset.done $0x0  }
0x76: {  	s4 =	sadd.s32 $0x600, s7;
	[sflag:s16] =	ssyncadd.s32 $0xFFFFE700  }
0x77: {  	[tilespmem:s17], [sflag:$0x5] =	stream.indirect.gather [hbm4b:s1+s8], $0x80, s4, s8, $0xb8;
	[tilespmem:$0x1E000] =	vst v63  }
0x78: {  	_ =	swait.ge [sflag:s18], $0x1900  }
0x79: {  	[sflag:s18] =	ssyncset.done $0x0  }
0x7a: {  	s4 =	sadd.s32 $0x680, s7;
	[sflag:s18] =	ssyncadd.s32 $0xFFFFE700  }
0x7b: {  	[tilespmem:s19], [sflag:$0x6] =	stream.indirect.gather [hbm4b:s1+s8], $0x80, s4, s8, $0xb8;
	[tilespmem:$0x1E000] =	vst v63  }
0x7c: {  	_ =	swait.ge [sflag:s20], $0x1900  }
0x7d: {  	s5 =	sadd.s32 $0x1000, s5;
	[sflag:s20] =	ssyncset.done $0x0  }
0x7e: {  	p0 =	sne.s32 s5, $0x40000;
	s4 =	sadd.s32 $0x700, s7;
	[sflag:s20] =	ssyncadd.s32 $0xFFFFE700  }
0x7f: {  	[tilespmem:s21], [sflag:$0x7] =	stream.indirect.gather [hbm4b:s1+s8], $0x80, s4, s8, $0xb8;
	[tilespmem:$0x1E000] =	vst v63  }
.Ltmp3:
0x80: {  	_ = 	snop;
	(pc) =	sbr.rel @p0 .LBB2_2-.Ltmp3, $4  }
.Ltmp4:
0x81: {  	_ =	swait.ge [sflag:s22], $0x1900;
	(pc) =	sbr.rel @!p0 .LBB2_5-.Ltmp4, $4  }
0x82: {  	[sflag:s22] =	ssyncset.done $0x0  }
0x83: {  	s6 =	sadd.s32 $0x1C00, s6;
	s7 =	sadd.s32 $0x780, s7;
	[sflag:s22] =	ssyncadd.s32 $0xFFFFE700  }
0x84: {  	[tilespmem:s23], [sflag:$0x8] =	stream.indirect.gather [hbm4b:s1+s8], $0x80, s7, s8, $0xb8;
	[tilespmem:$0x1E000] =	vst v63  }
0x85: {  	_ = 	snop  }
.LBB2_6:
0x86: {  	_ =	sfence.sel $0x180000  }
0x87: {  	[bflag:$0x0] =	sbarrier.arrive $0xFFFF  }
0x88: {  	_ =	strace $0x90000047  }
0x89: {  	s0 =	stileid.u32;
	[bflag:$0x2] =	sbarrier.arrive $0xFFFF  }
0x8a: {  	p0 =	sne.s32 s0, $0x0;
	s0 =	rddreg [dreg:$0x2]  }
0x8b: {  	s0 =	sadd.s32 @!p0 $0x100000, s0  }
0x8c: {  	[sflag:s0] =	ssyncadd.tile.s32 @!p0 $0x1;
	_ =	shalt  }
.Lfunc_end2:
_tile_overlayer_lowered:
.L_overlay_start_2:
0x8d: {  	(tag) =	ssettag $0x2  }
0x8e: {  	s0 =	rddreg [dreg:$0x0];
	s2 =	stileid.u32  }
0x8f: {  	s1 =	rddreg [dreg:$0x1];
	p0 =	sne.s32 s2, $0x0  }
0x90: {  	s3 =	rddreg [dreg:$0x2];
	[bflag:$0x3] =	sbarrier.arrive $0xFFFF;
	s2 =	simm.s32 @!p0 $0x1C11  }
0x91: {  	[timem:s3], [sflag:s2] =	dma.local @!p0 [hbm:s0], s1  }
0x92: {  	s0 =	simm.s32 @!p0 $0x11  }
0x93: {  	_ =	swait.ge @!p0 [sflag:s0], s1  }
0x94: {  	s1 =	ssub.s32 @!p0 $0x0, s1;
	[sflag:s0] =	ssyncset.done @!p0 $0x0  }
0x95: {  	[sflag:s0] =	ssyncadd.s32 @!p0 s1  }
0x96: {  	[bflag:$0x3] =	sbarrier.arrive $0xFFFF  }
0x97: {  	_ =	shalt  }

</sc_bundles>
